<compile_context>
chip_gen: v7x
topology: tpu7x:2x2x1
jax: 0.10.2.dev20260603
libtpu: 0.0.44.dev20260713+nightly
codegen_flags: <defaults>
</compile_context>

<pallas_src>
import functools

import jax
import jax.numpy as jnp
from jax import lax
from jax.experimental import pallas as pl
from jax.experimental.pallas import tpu as pltpu
from jax.experimental.pallas import tpu_sc as plsc

N = 10000
NP = 10240
E = 160000
EP = 163840
K = 128
NCHUNK = EP // K
NC, NS = 2, 16
ROWS_PER_TILE = NP // NS
_PH = 2


def _fill_f32(ref, rows, cols, val):
    def row_body(i, _):
        def col_body(k, _):
            ref[i, pl.ds(k * 16, 16)] = jnp.full((16,), val, jnp.float32)
            return 0
        return lax.fori_loop(0, cols // 16, col_body, 0)
    lax.fori_loop(0, rows, row_body, 0)


def _deg_body(dst2d, degp, ones_v, didx, zbuf, acc):
    c = lax.axis_index("c")
    s = lax.axis_index("s")
    w = c * NS + s
    _fill_f32(ones_v, K, 16, 1.0)
    _fill_f32(zbuf, 64, 16, 0.0)
    def zloop(k, _):
        pltpu.sync_copy(zbuf, acc.at[pl.ds(s * ROWS_PER_TILE + k * 64, 64)])
        return 0
    lax.fori_loop(0, ROWS_PER_TILE // 64, zloop, 0)
    nchunks = NCHUNK // (NC * NS)
    pltpu.sync_copy(dst2d.at[pl.ds(w * nchunks, nchunks)], didx)
    plsc.subcore_barrier()
    def body(j, _):
        pltpu.sync_copy(ones_v, acc.at[didx.at[j]], add=True)
        return 0
    lax.fori_loop(0, nchunks, body, 0)
    plsc.subcore_barrier()
    pltpu.sync_copy(
        acc.at[pl.ds(s * ROWS_PER_TILE, ROWS_PER_TILE)],
        degp.at[pl.ds(c * NP + s * ROWS_PER_TILE, ROWS_PER_TILE)],
    )


_deg_kernel = functools.partial(
    pl.kernel,
    out_type=jax.ShapeDtypeStruct((NC * NP, 16), jnp.float32),
    mesh=plsc.VectorSubcoreMesh(core_axis_name="c", subcore_axis_name="s"),
    scratch_types=[
        pltpu.VMEM((K, 16), jnp.float32),
        pltpu.VMEM((NCHUNK // (NC * NS), K), jnp.int32),
        pltpu.VMEM((64, 16), jnp.float32),
        pltpu.VMEM_SHARED((NP, 16), jnp.float32),
    ],
)(_deg_body)


def _gather_scatter_loop(table, sidx, didx, rows_a, rows_b, sem_a, sem_b, acc,
                         nchunks):
    half = nchunks // 2
    pltpu.async_copy(table.at[sidx.at[0]], rows_a, sem_a)

    def body(p, _):
        ja = 2 * p
        jb = 2 * p + 1
        pltpu.async_copy(table.at[sidx.at[jb]], rows_b, sem_b)
        pltpu.make_async_copy(table.at[sidx.at[ja]], rows_a, sem_a).wait()
        pltpu.sync_copy(rows_a, acc.at[didx.at[ja]], add=True)

        @pl.when(p < half - 1)
        def _():
            pltpu.async_copy(table.at[sidx.at[ja + 2]], rows_a, sem_a)

        pltpu.make_async_copy(table.at[sidx.at[jb]], rows_b, sem_b).wait()
        pltpu.sync_copy(rows_b, acc.at[didx.at[jb]], add=True)
        return 0

    lax.fori_loop(0, half, body, 0)


def _agg1_body(g_st, src_pair, dst2d, out_st, sidx, didx, rows_a, rows_b, zbuf,
               acc, sem_a, sem_b):
    c = lax.axis_index("c")
    s = lax.axis_index("s")
    nchunks = NCHUNK // NS
    nph = nchunks // _PH
    _fill_f32(zbuf, 8, 128, 0.0)
    def zloop(k, _):
        pltpu.sync_copy(zbuf, acc.at[pl.ds(s * ROWS_PER_TILE + k * 8, 8)])
        return 0
    lax.fori_loop(0, ROWS_PER_TILE // 8, zloop, 0)
    plsc.subcore_barrier()
    def phase(ph, _):
        pltpu.sync_copy(
            src_pair.at[pl.ds(c * NCHUNK + s * nchunks + ph * nph, nph)], sidx)
        pltpu.sync_copy(dst2d.at[pl.ds(s * nchunks + ph * nph, nph)], didx)
        _gather_scatter_loop(g_st, sidx, didx, rows_a, rows_b, sem_a, sem_b,
                             acc, nph)
        return 0
    lax.fori_loop(0, _PH, phase, 0)
    plsc.subcore_barrier()
    pltpu.sync_copy(
        acc.at[pl.ds(s * ROWS_PER_TILE, ROWS_PER_TILE)],
        out_st.at[pl.ds(c * NP + s * ROWS_PER_TILE, ROWS_PER_TILE)],
    )


_agg1_kernel = functools.partial(
    pl.kernel,
    out_type=jax.ShapeDtypeStruct((NC * NP, 128), jnp.float32),
    mesh=plsc.VectorSubcoreMesh(core_axis_name="c", subcore_axis_name="s"),
    scratch_types=[
        pltpu.VMEM((NCHUNK // NS // _PH, K), jnp.int32),
        pltpu.VMEM((NCHUNK // NS // _PH, K), jnp.int32),
        pltpu.VMEM((K, 128), jnp.float32),
        pltpu.VMEM((K, 128), jnp.float32),
        pltpu.VMEM((8, 128), jnp.float32),
        pltpu.VMEM_SHARED((NP, 128), jnp.float32),
        pltpu.SemaphoreType.DMA,
        pltpu.SemaphoreType.DMA,
    ],
)(_agg1_body)


def _agg2_body(g2, src2d, dst2d, out_st, sidx, didx, rows_a, rows_b, zbuf, acc,
               sem_a, sem_b):
    c = lax.axis_index("c")
    s = lax.axis_index("s")
    w = c * NS + s
    nchunks = NCHUNK // (NC * NS)
    _fill_f32(zbuf, 8, 128, 0.0)
    def zloop(k, _):
        pltpu.sync_copy(zbuf, acc.at[pl.ds(s * ROWS_PER_TILE + k * 8, 8)])
        return 0
    lax.fori_loop(0, ROWS_PER_TILE // 8, zloop, 0)
    pltpu.sync_copy(src2d.at[pl.ds(w * nchunks, nchunks)], sidx)
    pltpu.sync_copy(dst2d.at[pl.ds(w * nchunks, nchunks)], didx)
    plsc.subcore_barrier()
    _gather_scatter_loop(g2, sidx, didx, rows_a, rows_b, sem_a, sem_b, acc,
                         nchunks)
    plsc.subcore_barrier()
    pltpu.sync_copy(
        acc.at[pl.ds(s * ROWS_PER_TILE, ROWS_PER_TILE)],
        out_st.at[pl.ds(c * NP + s * ROWS_PER_TILE, ROWS_PER_TILE)],
    )


_agg2_kernel = functools.partial(
    pl.kernel,
    out_type=jax.ShapeDtypeStruct((NC * NP, 128), jnp.float32),
    mesh=plsc.VectorSubcoreMesh(core_axis_name="c", subcore_axis_name="s"),
    scratch_types=[
        pltpu.VMEM((NCHUNK // (NC * NS), K), jnp.int32),
        pltpu.VMEM((NCHUNK // (NC * NS), K), jnp.int32),
        pltpu.VMEM((K, 128), jnp.float32),
        pltpu.VMEM((K, 128), jnp.float32),
        pltpu.VMEM((8, 128), jnp.float32),
        pltpu.VMEM_SHARED((NP, 128), jnp.float32),
        pltpu.SemaphoreType.DMA,
        pltpu.SemaphoreType.DMA,
    ],
)(_agg2_body)


_RB = 256
_NBLK = NP // _RB


def _dinv_block(d0, d1):
    return lax.rsqrt(d0[:, 0:1] + d1[:, 0:1] + 1.0)


def _rowmask(i):
    r = i * _RB + lax.broadcasted_iota(jnp.int32, (_RB, 1), 0)
    return r < N


def _tc_b_body(x_ref, w_ref, d0_ref, d1_ref, o_ref):
    i = pl.program_id(1)
    dinv = _dinv_block(d0_ref[...], d1_ref[...])
    m = jnp.dot(x_ref[...], w_ref[...], preferred_element_type=jnp.float32)
    o_ref[...] = jnp.where(_rowmask(i), m * dinv, 0.0)


def _tc_b(xp, W1, d0, d1):
    return pl.pallas_call(
        _tc_b_body,
        grid=(2, _NBLK),
        in_specs=[
            pl.BlockSpec((_RB, 256), lambda h, i: (i, 0)),
            pl.BlockSpec((256, 128), lambda h, i: (0, h)),
            pl.BlockSpec((_RB, 16), lambda h, i: (i, 0)),
            pl.BlockSpec((_RB, 16), lambda h, i: (i, 0)),
        ],
        out_specs=pl.BlockSpec((_RB, 128), lambda h, i: (h * _NBLK + i, 0)),
        out_shape=jax.ShapeDtypeStruct((NC * NP, 128), jnp.float32),
    )(xp, W1, d0, d1)


def _tc_d_body(alo_ref, ahi_ref, glo_ref, ghi_ref, d0_ref, d1_ref, b1_ref,
               w2_ref, o_ref):
    i = pl.program_id(0)
    dinv = _dinv_block(d0_ref[...], d1_ref[...])
    b1 = b1_ref[...]
    hl = jnp.maximum((alo_ref[...] + glo_ref[...]) * dinv + b1[:, 0:128], 0.0)
    hh = jnp.maximum((ahi_ref[...] + ghi_ref[...]) * dinv + b1[:, 128:256], 0.0)
    w2 = w2_ref[...]
    m2 = (jnp.dot(hl, w2[0:128, :], preferred_element_type=jnp.float32)
          + jnp.dot(hh, w2[128:256, :], preferred_element_type=jnp.float32))
    o_ref[...] = jnp.where(_rowmask(i), m2 * dinv, 0.0)


def _tc_d(agg_st, g_st, d0, d1, b1r, W2):
    return pl.pallas_call(
        _tc_d_body,
        grid=(_NBLK,),
        in_specs=[
            pl.BlockSpec((_RB, 128), lambda i: (i, 0)),
            pl.BlockSpec((_RB, 128), lambda i: (_NBLK + i, 0)),
            pl.BlockSpec((_RB, 128), lambda i: (i, 0)),
            pl.BlockSpec((_RB, 128), lambda i: (_NBLK + i, 0)),
            pl.BlockSpec((_RB, 16), lambda i: (i, 0)),
            pl.BlockSpec((_RB, 16), lambda i: (i, 0)),
            pl.BlockSpec((1, 256), lambda i: (0, 0)),
            pl.BlockSpec((256, 128), lambda i: (0, 0)),
        ],
        out_specs=pl.BlockSpec((_RB, 128), lambda i: (i, 0)),
        out_shape=jax.ShapeDtypeStruct((NP, 128), jnp.float32),
    )(agg_st, agg_st, g_st, g_st, d0, d1, b1r, W2)


def _tc_f_body(plo_ref, phi_ref, g2_ref, d0_ref, d1_ref, b2_ref, wfc_ref,
               bfc_ref, o_ref):
    dinv = _dinv_block(d0_ref[...], d1_ref[...])
    h2 = jnp.maximum(
        (plo_ref[...] + phi_ref[...] + g2_ref[...]) * dinv + b2_ref[...], 0.0)
    o_ref[...] = (jnp.dot(h2, wfc_ref[...], preferred_element_type=jnp.float32)
                  + bfc_ref[...])


def _tc_f(agg2_st, g2, d0, d1, b2r, Wfc, bfcr):
    return pl.pallas_call(
        _tc_f_body,
        grid=(_NBLK,),
        in_specs=[
            pl.BlockSpec((_RB, 128), lambda i: (i, 0)),
            pl.BlockSpec((_RB, 128), lambda i: (_NBLK + i, 0)),
            pl.BlockSpec((_RB, 128), lambda i: (i, 0)),
            pl.BlockSpec((_RB, 16), lambda i: (i, 0)),
            pl.BlockSpec((_RB, 16), lambda i: (i, 0)),
            pl.BlockSpec((1, 128), lambda i: (0, 0)),
            pl.BlockSpec((128, 256), lambda i: (0, 0)),
            pl.BlockSpec((1, 256), lambda i: (0, 0)),
        ],
        out_specs=pl.BlockSpec((_RB, 256), lambda i: (i, 0)),
        out_shape=jax.ShapeDtypeStruct((NP, 256), jnp.float32),
    )(agg2_st, agg2_st, g2, d0, d1, b2r, Wfc, bfcr)


def _tc_w_body(wf1_ref, wf2_ref, bf1_ref, bf2_ref, wfc_ref, bfc_ref):
    wf2 = wf2_ref[...]
    wfc_ref[...] = jnp.dot(wf1_ref[...], wf2, preferred_element_type=jnp.float32)
    bfc_ref[...] = (jnp.dot(bf1_ref[...], wf2, preferred_element_type=jnp.float32)
                    + bf2_ref[...])


def _tc_w(Wf1, Wf2, bf1r, bf2r):
    return pl.pallas_call(
        _tc_w_body,
        out_shape=(jax.ShapeDtypeStruct((128, 256), jnp.float32),
                   jax.ShapeDtypeStruct((1, 256), jnp.float32)),
    )(Wf1, Wf2, bf1r, bf2r)


def kernel(x, edge_index, W1, b1, W2, b2, Wf1, bf1, Wf2, bf2):
    src = edge_index[0]
    dst = edge_index[1]
    pad = jnp.full((EP - E,), N, dtype=jnp.int32)
    src2d = jnp.concatenate([src, pad]).reshape(NCHUNK, K)
    dst2d = jnp.concatenate([dst, pad]).reshape(NCHUNK, K)
    src_pair = jnp.concatenate([src2d, src2d + NP], axis=0)
    xp = jnp.pad(x, ((0, NP - N), (0, 0)))
    b1r = b1.reshape(1, 256)
    b2r = b2.reshape(1, 128)
    bf1r = bf1.reshape(1, 256)
    bf2r = bf2.reshape(1, 256)

    degp = _deg_kernel(dst2d)
    d0 = degp[:NP]
    d1 = degp[NP:]
    Wfc, bfcr = _tc_w(Wf1, Wf2, bf1r, bf2r)

    g1_st = _tc_b(xp, W1, d0, d1)
    agg1_st = _agg1_kernel(g1_st, src_pair, dst2d)
    return agg1_st
    agg1_st = _agg1_kernel(g1_st, src_pair, dst2d)
    g2 = _tc_d(agg1_st, g1_st, d0, d1, b1r, W2)
    agg2_st = _agg2_kernel(g2, src2d, dst2d)
    outp = _tc_f(agg2_st, g2, d0, d1, b2r, Wfc, bfcr)
    return outp[:N]

# --- scband reference (transcript-rebuilt; emitter-appended) ---
"""Pipeline reference for scband-mdgraph-encoder-25202868093391 (READ-ONLY COPY).

The authoritative reference and input builder live on the scoring server;
editing this copy changes nothing except your own understanding.
"""

import jax, jax.numpy as jnp
import numpy as np

N = 10000
E = 160000
IN_DIM = 256
MID_DIM = 256
OUT_DIM = 128
FC_MID = 256
PROJ_DIM = 256


def _glorot(key, shape):
    fan_in, fan_out = shape[0], shape[1]
    limit = np.sqrt(6.0 / (fan_in + fan_out))
    return jax.random.uniform(key, shape, dtype=jnp.float32, minval=-limit, maxval=limit)


def setup_inputs(seed: int = 0) -> dict:
    key = jax.random.key(seed)
    ks = jax.random.split(key, 10)
    x = jax.random.normal(ks[0], (N, IN_DIM), dtype=jnp.float32)
    edge_index = jax.random.randint(ks[1], (2, E), 0, N, dtype=jnp.int32)
    W1 = _glorot(ks[2], (IN_DIM, MID_DIM))
    b1 = jnp.zeros((MID_DIM,), dtype=jnp.float32)
    W2 = _glorot(ks[3], (MID_DIM, OUT_DIM))
    b2 = jnp.zeros((OUT_DIM,), dtype=jnp.float32)
    Wf1 = _glorot(ks[4], (OUT_DIM, FC_MID))
    bf1 = jax.random.normal(ks[5], (FC_MID,), dtype=jnp.float32) * 0.02
    Wf2 = _glorot(ks[6], (FC_MID, PROJ_DIM))
    bf2 = jax.random.normal(ks[7], (PROJ_DIM,), dtype=jnp.float32) * 0.02
    return {"x": x, "edge_index": edge_index, "W1": W1, "b1": b1, "W2": W2, "b2": b2,
            "Wf1": Wf1, "bf1": bf1, "Wf2": Wf2, "bf2": bf2}


def _gcn_conv(x, edge_index, W, b):
    # PyG GCNConv: add self-loops, symmetric D^-1/2 (A+I) D^-1/2 normalization
    n = x.shape[0]
    src = edge_index[0]
    dst = edge_index[1]
    loop = jnp.arange(n, dtype=src.dtype)
    src = jnp.concatenate([src, loop])
    dst = jnp.concatenate([dst, loop])
    deg = jnp.zeros((n,), dtype=x.dtype).at[dst].add(1.0)
    dinv = jnp.where(deg > 0, 1.0 / jnp.sqrt(deg), 0.0)
    norm = dinv[src] * dinv[dst]
    h = x @ W
    msg = h[src] * norm[:, None]
    out = jnp.zeros((n, W.shape[1]), dtype=x.dtype).at[dst].add(msg)
    return out + b


def reference(x, edge_index, W1, b1, W2, b2, Wf1, bf1, Wf2, bf2):
    h = _gcn_conv(x, edge_index, W1, b1)
    h = jax.nn.relu(h)
    h = _gcn_conv(h, edge_index, W2, b2)
    h = jax.nn.relu(h)
    h = h @ Wf1 + bf1
    # dropout p=0.0 / eval mode -> identity
    h = h @ Wf2 + bf2
    return h

if __name__ == "__main__":
    import jax
    _d = setup_inputs()
    print(jax.jit(kernel)(*tuple(_d.values())))

</pallas_src>

<mosaic_0001>
#map = affine_map<(d0, d1) -> (0, 0)>
module attributes {stable_mosaic.version = 14 : i64} {
  func.func @_agg1_body(%arg0: i32, %arg1: i32, %arg2: memref<20480x128xf32, #tpu.memory_space<hbm>>, %arg3: memref<2560x128xi32, #tpu.memory_space<hbm>>, %arg4: memref<1280x128xi32, #tpu.memory_space<hbm>>, %arg5: memref<20480x128xf32, #tpu.memory_space<hbm>>, %arg6: memref<40x128xi32, #tpu.memory_space<vmem>>, %arg7: memref<40x128xi32, #tpu.memory_space<vmem>>, %arg8: memref<128x128xf32, #tpu.memory_space<vmem>>, %arg9: memref<128x128xf32, #tpu.memory_space<vmem>>, %arg10: memref<8x128xf32, #tpu.memory_space<vmem>>, %arg11: memref<10240x128xf32, #tpu.memory_space<vmem_shared>>, %arg12: memref<!tpu.dma_semaphore, #tpu.memory_space<semaphore_mem>>, %arg13: memref<!tpu.dma_semaphore, #tpu.memory_space<semaphore_mem>>) attributes {dimension_semantics = [#tpu.dimension_semantics<core_parallel>, #tpu.dimension_semantics<subcore_parallel>], iteration_bounds = array<i64: 2, 16>, scalar_prefetch = 0 : i64, scratch_operands = 8 : i64, tpu.core_type = #tpu.core_type<sc_vector_subcore>, window_params = [{transform_indices = #map}, {transform_indices = #map}, {transform_indices = #map}, {transform_indices = #map}]} {
    %scan3A = arith.constant 0 : i32
    %scan3A_0 = arith.constant 0 : i32
    %scan3A_1 = arith.constant 8 : i32
    %scan3A_2 = arith.addi %scan3A_0, %scan3A_1 : i32
    %scan3A_3 = arith.constant 1 : i32
    %scan3A_4 = scf.for %scan3A_26 = %scan3A_0 to %scan3A_2 step %scan3A_3 iter_args(%scan3A_27 = %scan3A) -> (i32)  : i32 {
      %scan3A_28 = arith.constant 0 : i32
      %scan3A_29 = arith.constant 0 : i32
      %scan3A_30 = arith.constant 8 : i32
      %scan3A_31 = arith.addi %scan3A_29, %scan3A_30 : i32
      %scan3A_32 = arith.constant 1 : i32
      %scan3A_33 = scf.for %scan3A_35 = %scan3A_29 to %scan3A_31 step %scan3A_32 iter_args(%scan3A_36 = %scan3A_28) -> (i32)  : i32 {
        %broadcast_in_dim3A = arith.constant 0.000000e+00 : f32
        %broadcast_in_dim3A_37 = vector.broadcast %broadcast_in_dim3A : f32 to vector<16xf32>
        %mul3A_38 = arith.constant 16 : i32
        %mul3A_39 = arith.muli %scan3A_35, %mul3A_38 : i32
        %swap3A = arith.index_cast %scan3A_26 : i32 to index
        %swap3A_40 = arith.index_cast %mul3A_39 : i32 to index
        %swap3A_41 = tpu.vector_load %arg10[%swap3A, %swap3A_40] {strides = array<i32>} : memref<8x128xf32, #tpu.memory_space<vmem>>, vector<1x16xf32>,
        %swap3A_42 = vector.shape_cast %swap3A_41 : vector<1x16xf32> to vector<16xf32>
        %swap3A_43 = vector.shape_cast %broadcast_in_dim3A_37 : vector<16xf32> to vector<1x16xf32>
        tpu.vector_store %arg10[%swap3A, %swap3A_40], %swap3A_43 {strides = array<i32>} : memref<8x128xf32, #tpu.memory_space<vmem>>, vector<1x16xf32>,
        %scan3A_44 = arith.constant 0 : i32
        scf.yield %scan3A_44 : i32
      }
      %scan3A_34 = arith.constant 8 : i32
      scf.yield %scan3A_33 : i32
    }
    %scan3A_5 = arith.constant 8 : i32
    %scan3A_6 = arith.constant 0 : i32
    %scan3A_7 = arith.constant 0 : i32
    %scan3A_8 = arith.constant 80 : i32
    %scan3A_9 = arith.addi %scan3A_7, %scan3A_8 : i32
    %scan3A_10 = arith.constant 1 : i32
    %scan3A_11 = scf.for %scan3A_26 = %scan3A_7 to %scan3A_9 step %scan3A_10 iter_args(%scan3A_27 = %scan3A_6) -> (i32)  : i32 {
      %mul3A_28 = arith.constant 640 : i32
      %mul3A_29 = arith.muli %arg1, %mul3A_28 : i32
      %mul3A_30 = arith.constant 8 : i32
      %mul3A_31 = arith.muli %scan3A_26, %mul3A_30 : i32
      %add3A_32 = arith.addi %mul3A_29, %mul3A_31 : i32
      "tpu.region"() ({
        %run_scoped3A = tpu.sem_alloc : memref<!tpu.dma_semaphore, #tpu.memory_space<semaphore_mem>>
        %dma_start3A = arith.constant 0 : i32
        %dma_start3A_34 = tpu.memref_slice %arg11[%add3A_32, %dma_start3A] : memref<10240x128xf32, #tpu.memory_space<vmem_shared>> -> memref<8x128xf32, #tpu.memory_space<vmem_shared>>
        %dma_start3A_35 = arith.constant 0 : i32
        %dma_start3A_36 = tpu.memref_slice %arg11[%add3A_32, %dma_start3A_35] : memref<10240x128xf32, #tpu.memory_space<vmem_shared>> -> memref<8x128xf32, #tpu.memory_space<vmem_shared>>
        tpu.enqueue_dma source(%arg10 : memref<8x128xf32, #tpu.memory_space<vmem>>) target(%dma_start3A_36 : memref<8x128xf32, #tpu.memory_space<vmem_shared>>) target_semaphore(%run_scoped3A : memref<!tpu.dma_semaphore, #tpu.memory_space<semaphore_mem>>)
        %dma_wait3A = arith.constant 0 : i32
        %dma_wait3A_37 = tpu.memref_slice %arg11[%add3A_32, %dma_wait3A] : memref<10240x128xf32, #tpu.memory_space<vmem_shared>> -> memref<8x128xf32, #tpu.memory_space<vmem_shared>>
        %dma_wait3A_38 = arith.constant 0 : i32
        %dma_wait3A_39 = tpu.memref_slice %arg11[%add3A_32, %dma_wait3A_38] : memref<10240x128xf32, #tpu.memory_space<vmem_shared>> -> memref<8x128xf32, #tpu.memory_space<vmem_shared>>
        tpu.wait_dma2 semaphore(%run_scoped3A : memref<!tpu.dma_semaphore, #tpu.memory_space<semaphore_mem>>) src(%arg10 : memref<8x128xf32, #tpu.memory_space<vmem>>) dst(%dma_wait3A_39 : memref<8x128xf32, #tpu.memory_space<vmem_shared>>)
        tpu.yield
      }) : () -> ()
      %scan3A_33 = arith.constant 0 : i32
      scf.yield %scan3A_33 : i32
    }
    %scan3A_12 = arith.constant 80 : i32
    %barrier3A = arith.constant 0 : index
    tpu.barrier barrier_id(%barrier3A)
    %scan3A_13 = arith.constant 0 : i32
    %scan3A_14 = arith.constant 0 : i32
    %scan3A_15 = arith.constant 2 : i32
    %scan3A_16 = arith.addi %scan3A_14, %scan3A_15 : i32
    %scan3A_17 = arith.constant 1 : i32
    %scan3A_18 = scf.for %scan3A_26 = %scan3A_14 to %scan3A_16 step %scan3A_17 iter_args(%scan3A_27 = %scan3A_13) -> (i32)  : i32 {
      %mul3A_28 = arith.constant 1280 : i32
      %mul3A_29 = arith.muli %arg0, %mul3A_28 : i32
      %mul3A_30 = arith.constant 80 : i32
      %mul3A_31 = arith.muli %arg1, %mul3A_30 : i32
      %add3A_32 = arith.addi %mul3A_29, %mul3A_31 : i32
      %mul3A_33 = arith.constant 40 : i32
      %mul3A_34 = arith.muli %scan3A_26, %mul3A_33 : i32
      %add3A_35 = arith.addi %add3A_32, %mul3A_34 : i32
      "tpu.region"() ({
        %run_scoped3A = tpu.sem_alloc : memref<!tpu.dma_semaphore, #tpu.memory_space<semaphore_mem>>
        %dma_start3A_55 = arith.constant 0 : i32
        %dma_start3A_56 = tpu.memref_slice %arg3[%add3A_35, %dma_start3A_55] : memref<2560x128xi32, #tpu.memory_space<hbm>> -> memref<40x128xi32, #tpu.memory_space<hbm>>
        %dma_start3A_57 = arith.constant 0 : i32
        %dma_start3A_58 = tpu.memref_slice %arg3[%add3A_35, %dma_start3A_57] : memref<2560x128xi32, #tpu.memory_space<hbm>> -> memref<40x128xi32, #tpu.memory_space<hbm>>
        tpu.enqueue_dma source(%dma_start3A_58 : memref<40x128xi32, #tpu.memory_space<hbm>>) target(%arg6 : memref<40x128xi32, #tpu.memory_space<vmem>>) target_semaphore(%run_scoped3A : memref<!tpu.dma_semaphore, #tpu.memory_space<semaphore_mem>>)
        %dma_wait3A = arith.constant 0 : i32
        %dma_wait3A_59 = tpu.memref_slice %arg3[%add3A_35, %dma_wait3A] : memref<2560x128xi32, #tpu.memory_space<hbm>> -> memref<40x128xi32, #tpu.memory_space<hbm>>
        %dma_wait3A_60 = arith.constant 0 : i32
        %dma_wait3A_61 = tpu.memref_slice %arg3[%add3A_35, %dma_wait3A_60] : memref<2560x128xi32, #tpu.memory_space<hbm>> -> memref<40x128xi32, #tpu.memory_space<hbm>>
        tpu.wait_dma2 semaphore(%run_scoped3A : memref<!tpu.dma_semaphore, #tpu.memory_space<semaphore_mem>>) src(%dma_wait3A_61 : memref<40x128xi32, #tpu.memory_space<hbm>>) dst(%arg6 : memref<40x128xi32, #tpu.memory_space<vmem>>)
        tpu.yield
      }) : () -> ()
      %mul3A_36 = arith.constant 80 : i32
      %mul3A_37 = arith.muli %arg1, %mul3A_36 : i32
      %mul3A_38 = arith.constant 40 : i32
      %mul3A_39 = arith.muli %scan3A_26, %mul3A_38 : i32
      %add3A_40 = arith.addi %mul3A_37, %mul3A_39 : i32
      "tpu.region"() ({
        %run_scoped3A = tpu.sem_alloc : memref<!tpu.dma_semaphore, #tpu.memory_space<semaphore_mem>>
        %dma_start3A_55 = arith.constant 0 : i32
        %dma_start3A_56 = tpu.memref_slice %arg4[%add3A_40, %dma_start3A_55] : memref<1280x128xi32, #tpu.memory_space<hbm>> -> memref<40x128xi32, #tpu.memory_space<hbm>>
        %dma_start3A_57 = arith.constant 0 : i32
        %dma_start3A_58 = tpu.memref_slice %arg4[%add3A_40, %dma_start3A_57] : memref<1280x128xi32, #tpu.memory_space<hbm>> -> memref<40x128xi32, #tpu.memory_space<hbm>>
        tpu.enqueue_dma source(%dma_start3A_58 : memref<40x128xi32, #tpu.memory_space<hbm>>) target(%arg7 : memref<40x128xi32, #tpu.memory_space<vmem>>) target_semaphore(%run_scoped3A : memref<!tpu.dma_semaphore, #tpu.memory_space<semaphore_mem>>)
        %dma_wait3A = arith.constant 0 : i32
        %dma_wait3A_59 = tpu.memref_slice %arg4[%add3A_40, %dma_wait3A] : memref<1280x128xi32, #tpu.memory_space<hbm>> -> memref<40x128xi32, #tpu.memory_space<hbm>>
        %dma_wait3A_60 = arith.constant 0 : i32
        %dma_wait3A_61 = tpu.memref_slice %arg4[%add3A_40, %dma_wait3A_60] : memref<1280x128xi32, #tpu.memory_space<hbm>> -> memref<40x128xi32, #tpu.memory_space<hbm>>
        tpu.wait_dma2 semaphore(%run_scoped3A : memref<!tpu.dma_semaphore, #tpu.memory_space<semaphore_mem>>) src(%dma_wait3A_61 : memref<40x128xi32, #tpu.memory_space<hbm>>) dst(%arg7 : memref<40x128xi32, #tpu.memory_space<vmem>>)
        tpu.yield
      }) : () -> ()
      %dma_start3A = arith.constant 0 : i32
      %dma_start3A_41 = arith.constant 0 : i32
      %dma_start3A_42 = tpu.memref_slice %arg6[%dma_start3A, %dma_start3A_41] : memref<40x128xi32, #tpu.memory_space<vmem>> -> memref<1x128xi32, #tpu.memory_space<vmem>>
      %dma_start3A_43 = tpu.memref_squeeze %dma_start3A_42 : memref<1x128xi32, #tpu.memory_space<vmem>> -> memref<128xi32, #tpu.memory_space<vmem>>
      %dma_start3A_44 = arith.constant 0 : i32
      %dma_start3A_45 = arith.constant 0 : i32
      %dma_start3A_46 = tpu.memref_slice %arg2[%dma_start3A_44, %dma_start3A_45] : memref<20480x128xf32, #tpu.memory_space<hbm>> -> memref<20480x128xf32, #tpu.memory_space<hbm>>
      tpu.enqueue_indirect_dma source(%dma_start3A_46 : memref<20480x128xf32, #tpu.memory_space<hbm>>) target(%arg8 : memref<128x128xf32, #tpu.memory_space<vmem>>) offsets(%dma_start3A_43 : memref<128xi32, #tpu.memory_space<vmem>>) semaphore(%arg12 : memref<!tpu.dma_semaphore, #tpu.memory_space<semaphore_mem>>)
      %scan3A_47 = arith.constant 0 : i32
      %scan3A_48 = arith.constant 0 : i32
      %scan3A_49 = arith.constant 20 : i32
      %scan3A_50 = arith.addi %scan3A_48, %scan3A_49 : i32
      %scan3A_51 = arith.constant 1 : i32
      %scan3A_52 = scf.for %scan3A_55 = %scan3A_48 to %scan3A_50 step %scan3A_51 iter_args(%scan3A_56 = %scan3A_47) -> (i32)  : i32 {
        %mul3A_57 = arith.constant 2 : i32
        %mul3A_58 = arith.muli %mul3A_57, %scan3A_55 : i32
        %mul3A_59 = arith.constant 2 : i32
        %mul3A_60 = arith.muli %mul3A_59, %scan3A_55 : i32
        %add3A_61 = arith.constant 1 : i32
        %add3A_62 = arith.addi %mul3A_60, %add3A_61 : i32
        %dma_start3A_63 = arith.constant 0 : i32
        %dma_start3A_64 = tpu.memref_slice %arg6[%add3A_62, %dma_start3A_63] : memref<40x128xi32, #tpu.memory_space<vmem>> -> memref<1x128xi32, #tpu.memory_space<vmem>>
        %dma_start3A_65 = tpu.memref_squeeze %dma_start3A_64 : memref<1x128xi32, #tpu.memory_space<vmem>> -> memref<128xi32, #tpu.memory_space<vmem>>
        %dma_start3A_66 = arith.constant 0 : i32
        %dma_start3A_67 = arith.constant 0 : i32
        %dma_start3A_68 = tpu.memref_slice %arg2[%dma_start3A_66, %dma_start3A_67] : memref<20480x128xf32, #tpu.memory_space<hbm>> -> memref<20480x128xf32, #tpu.memory_space<hbm>>
        tpu.enqueue_indirect_dma source(%dma_start3A_68 : memref<20480x128xf32, #tpu.memory_space<hbm>>) target(%arg9 : memref<128x128xf32, #tpu.memory_space<vmem>>) offsets(%dma_start3A_65 : memref<128xi32, #tpu.memory_space<vmem>>) semaphore(%arg13 : memref<!tpu.dma_semaphore, #tpu.memory_space<semaphore_mem>>)
        %dma_wait3A = arith.constant 0 : i32
        %dma_wait3A_69 = tpu.memref_slice %arg6[%mul3A_58, %dma_wait3A] : memref<40x128xi32, #tpu.memory_space<vmem>> -> memref<1x128xi32, #tpu.memory_space<vmem>>
        %dma_wait3A_70 = tpu.memref_squeeze %dma_wait3A_69 : memref<1x128xi32, #tpu.memory_space<vmem>> -> memref<128xi32, #tpu.memory_space<vmem>>
        %dma_wait3A_71 = arith.constant 0 : i32
        %dma_wait3A_72 = arith.constant 0 : i32
        %dma_wait3A_73 = tpu.memref_slice %arg2[%dma_wait3A_71, %dma_wait3A_72] : memref<20480x128xf32, #tpu.memory_space<hbm>> -> memref<20480x128xf32, #tpu.memory_space<hbm>>
        tpu.wait_indirect_dma semaphore(%arg12 : memref<!tpu.dma_semaphore, #tpu.memory_space<semaphore_mem>>) src(%dma_wait3A_73 : memref<20480x128xf32, #tpu.memory_space<hbm>>) dst(%arg8 : memref<128x128xf32, #tpu.memory_space<vmem>>)
        "tpu.region"() ({
          %run_scoped3A = tpu.sem_alloc : memref<!tpu.dma_semaphore, #tpu.memory_space<semaphore_mem>>
          %dma_start3A_83 = arith.constant 0 : i32
          %dma_start3A_84 = tpu.memref_slice %arg7[%mul3A_58, %dma_start3A_83] : memref<40x128xi32, #tpu.memory_space<vmem>> -> memref<1x128xi32, #tpu.memory_space<vmem>>
          %dma_start3A_85 = tpu.memref_squeeze %dma_start3A_84 : memref<1x128xi32, #tpu.memory_space<vmem>> -> memref<128xi32, #tpu.memory_space<vmem>>
          %dma_start3A_86 = arith.constant 0 : i32
          %dma_start3A_87 = arith.constant 0 : i32
          %dma_start3A_88 = tpu.memref_slice %arg11[%dma_start3A_86, %dma_start3A_87] : memref<10240x128xf32, #tpu.memory_space<vmem_shared>> -> memref<10240x128xf32, #tpu.memory_space<vmem_shared>>
          tpu.enqueue_indirect_dma source(%arg8 : memref<128x128xf32, #tpu.memory_space<vmem>>) target(%dma_start3A_88 : memref<10240x128xf32, #tpu.memory_space<vmem_shared>>) offsets(%dma_start3A_85 : memref<128xi32, #tpu.memory_space<vmem>>) semaphore(%run_scoped3A : memref<!tpu.dma_semaphore, #tpu.memory_space<semaphore_mem>>) {add = true}
          %dma_wait3A_89 = arith.constant 0 : i32
          %dma_wait3A_90 = tpu.memref_slice %arg7[%mul3A_58, %dma_wait3A_89] : memref<40x128xi32, #tpu.memory_space<vmem>> -> memref<1x128xi32, #tpu.memory_space<vmem>>
          %dma_wait3A_91 = tpu.memref_squeeze %dma_wait3A_90 : memref<1x128xi32, #tpu.memory_space<vmem>> -> memref<128xi32, #tpu.memory_space<vmem>>
          %dma_wait3A_92 = arith.constant 0 : i32
          %dma_wait3A_93 = arith.constant 0 : i32
          %dma_wait3A_94 = tpu.memref_slice %arg11[%dma_wait3A_92, %dma_wait3A_93] : memref<10240x128xf32, #tpu.memory_space<vmem_shared>> -> memref<10240x128xf32, #tpu.memory_space<vmem_shared>>
          tpu.wait_indirect_dma semaphore(%run_scoped3A : memref<!tpu.dma_semaphore, #tpu.memory_space<semaphore_mem>>) src(%arg8 : memref<128x128xf32, #tpu.memory_space<vmem>>) dst(%dma_wait3A_94 : memref<10240x128xf32, #tpu.memory_space<vmem_shared>>)
          tpu.yield
        }) : () -> ()
        %lt3A = arith.constant 19 : i32
        %lt3A_74 = arith.cmpi slt, %scan3A_55, %lt3A : i32
        %convert_element_type3A = arith.extui %lt3A_74 : i1 to i32
        %cond3A = arith.constant 0 : i32
        %cond3A_75 = arith.cmpi ne, %convert_element_type3A, %cond3A : i32
        scf.if %cond3A_75 {
          %add3A_83 = arith.constant 2 : i32
          %add3A_84 = arith.addi %mul3A_58, %add3A_83 : i32
          %dma_start3A_85 = arith.constant 0 : i32
          %dma_start3A_86 = tpu.memref_slice %arg6[%add3A_84, %dma_start3A_85] : memref<40x128xi32, #tpu.memory_space<vmem>> -> memref<1x128xi32, #tpu.memory_space<vmem>>
          %dma_start3A_87 = tpu.memref_squeeze %dma_start3A_86 : memref<1x128xi32, #tpu.memory_space<vmem>> -> memref<128xi32, #tpu.memory_space<vmem>>
          %dma_start3A_88 = arith.constant 0 : i32
          %dma_start3A_89 = arith.constant 0 : i32
          %dma_start3A_90 = tpu.memref_slice %arg2[%dma_start3A_88, %dma_start3A_89] : memref<20480x128xf32, #tpu.memory_space<hbm>> -> memref<20480x128xf32, #tpu.memory_space<hbm>>
          tpu.enqueue_indirect_dma source(%dma_start3A_90 : memref<20480x128xf32, #tpu.memory_space<hbm>>) target(%arg8 : memref<128x128xf32, #tpu.memory_space<vmem>>) offsets(%dma_start3A_87 : memref<128xi32, #tpu.memory_space<vmem>>) semaphore(%arg12 : memref<!tpu.dma_semaphore, #tpu.memory_space<semaphore_mem>>)
        } else {
        }
        %dma_wait3A_76 = arith.constant 0 : i32
        %dma_wait3A_77 = tpu.memref_slice %arg6[%add3A_62, %dma_wait3A_76] : memref<40x128xi32, #tpu.memory_space<vmem>> -> memref<1x128xi32, #tpu.memory_space<vmem>>
        %dma_wait3A_78 = tpu.memref_squeeze %dma_wait3A_77 : memref<1x128xi32, #tpu.memory_space<vmem>> -> memref<128xi32, #tpu.memory_space<vmem>>
        %dma_wait3A_79 = arith.constant 0 : i32
        %dma_wait3A_80 = arith.constant 0 : i32
        %dma_wait3A_81 = tpu.memref_slice %arg2[%dma_wait3A_79, %dma_wait3A_80] : memref<20480x128xf32, #tpu.memory_space<hbm>> -> memref<20480x128xf32, #tpu.memory_space<hbm>>
        tpu.wait_indirect_dma semaphore(%arg13 : memref<!tpu.dma_semaphore, #tpu.memory_space<semaphore_mem>>) src(%dma_wait3A_81 : memref<20480x128xf32, #tpu.memory_space<hbm>>) dst(%arg9 : memref<128x128xf32, #tpu.memory_space<vmem>>)
        "tpu.region"() ({
          %run_scoped3A = tpu.sem_alloc : memref<!tpu.dma_semaphore, #tpu.memory_space<semaphore_mem>>
          %dma_start3A_83 = arith.constant 0 : i32
          %dma_start3A_84 = tpu.memref_slice %arg7[%add3A_62, %dma_start3A_83] : memref<40x128xi32, #tpu.memory_space<vmem>> -> memref<1x128xi32, #tpu.memory_space<vmem>>
          %dma_start3A_85 = tpu.memref_squeeze %dma_start3A_84 : memref<1x128xi32, #tpu.memory_space<vmem>> -> memref<128xi32, #tpu.memory_space<vmem>>
          %dma_start3A_86 = arith.constant 0 : i32
          %dma_start3A_87 = arith.constant 0 : i32
          %dma_start3A_88 = tpu.memref_slice %arg11[%dma_start3A_86, %dma_start3A_87] : memref<10240x128xf32, #tpu.memory_space<vmem_shared>> -> memref<10240x128xf32, #tpu.memory_space<vmem_shared>>
          tpu.enqueue_indirect_dma source(%arg9 : memref<128x128xf32, #tpu.memory_space<vmem>>) target(%dma_start3A_88 : memref<10240x128xf32, #tpu.memory_space<vmem_shared>>) offsets(%dma_start3A_85 : memref<128xi32, #tpu.memory_space<vmem>>) semaphore(%run_scoped3A : memref<!tpu.dma_semaphore, #tpu.memory_space<semaphore_mem>>) {add = true}
          %dma_wait3A_89 = arith.constant 0 : i32
          %dma_wait3A_90 = tpu.memref_slice %arg7[%add3A_62, %dma_wait3A_89] : memref<40x128xi32, #tpu.memory_space<vmem>> -> memref<1x128xi32, #tpu.memory_space<vmem>>
          %dma_wait3A_91 = tpu.memref_squeeze %dma_wait3A_90 : memref<1x128xi32, #tpu.memory_space<vmem>> -> memref<128xi32, #tpu.memory_space<vmem>>
          %dma_wait3A_92 = arith.constant 0 : i32
          %dma_wait3A_93 = arith.constant 0 : i32
          %dma_wait3A_94 = tpu.memref_slice %arg11[%dma_wait3A_92, %dma_wait3A_93] : memref<10240x128xf32, #tpu.memory_space<vmem_shared>> -> memref<10240x128xf32, #tpu.memory_space<vmem_shared>>
          tpu.wait_indirect_dma semaphore(%run_scoped3A : memref<!tpu.dma_semaphore, #tpu.memory_space<semaphore_mem>>) src(%arg9 : memref<128x128xf32, #tpu.memory_space<vmem>>) dst(%dma_wait3A_94 : memref<10240x128xf32, #tpu.memory_space<vmem_shared>>)
          tpu.yield
        }) : () -> ()
        %scan3A_82 = arith.constant 0 : i32
        scf.yield %scan3A_82 : i32
      }
      %scan3A_53 = arith.constant 20 : i32
      %scan3A_54 = arith.constant 0 : i32
      scf.yield %scan3A_54 : i32
    }
    %scan3A_19 = arith.constant 2 : i32
    %barrier3A_20 = arith.constant 0 : index
    tpu.barrier barrier_id(%barrier3A_20)
    %mul3A = arith.constant 640 : i32
    %mul3A_21 = arith.muli %arg1, %mul3A : i32
    %mul3A_22 = arith.constant 10240 : i32
    %mul3A_23 = arith.muli %arg0, %mul3A_22 : i32
    %mul3A_24 = arith.constant 640 : i32
    %mul3A_25 = arith.muli %arg1, %mul3A_24 : i32
    %add3A = arith.addi %mul3A_23, %mul3A_25 : i32
    "tpu.region"() ({
      %run_scoped3A = tpu.sem_alloc : memref<!tpu.dma_semaphore, #tpu.memory_space<semaphore_mem>>
      %dma_start3A = arith.constant 0 : i32
      %dma_start3A_26 = tpu.memref_slice %arg5[%add3A, %dma_start3A] : memref<20480x128xf32, #tpu.memory_space<hbm>> -> memref<640x128xf32, #tpu.memory_space<hbm>>
      %dma_start3A_27 = arith.constant 0 : i32
      %dma_start3A_28 = tpu.memref_slice %arg11[%mul3A_21, %dma_start3A_27] : memref<10240x128xf32, #tpu.memory_space<vmem_shared>> -> memref<640x128xf32, #tpu.memory_space<vmem_shared>>
      tpu.enqueue_dma source(%dma_start3A_28 : memref<640x128xf32, #tpu.memory_space<vmem_shared>>) target(%dma_start3A_26 : memref<640x128xf32, #tpu.memory_space<hbm>>) target_semaphore(%run_scoped3A : memref<!tpu.dma_semaphore, #tpu.memory_space<semaphore_mem>>)
      %dma_wait3A = arith.constant 0 : i32
      %dma_wait3A_29 = tpu.memref_slice %arg5[%add3A, %dma_wait3A] : memref<20480x128xf32, #tpu.memory_space<hbm>> -> memref<640x128xf32, #tpu.memory_space<hbm>>
      %dma_wait3A_30 = arith.constant 0 : i32
      %dma_wait3A_31 = tpu.memref_slice %arg11[%mul3A_21, %dma_wait3A_30] : memref<10240x128xf32, #tpu.memory_space<vmem_shared>> -> memref<640x128xf32, #tpu.memory_space<vmem_shared>>
      tpu.wait_dma2 semaphore(%run_scoped3A : memref<!tpu.dma_semaphore, #tpu.memory_space<semaphore_mem>>) src(%dma_wait3A_31 : memref<640x128xf32, #tpu.memory_space<vmem_shared>>) dst(%dma_wait3A_29 : memref<640x128xf32, #tpu.memory_space<hbm>>)
      tpu.yield
    }) : () -> ()
    return
  }
}

#map = affine_map<(d0, d1) -> (0, 0)>
module attributes {stable_mosaic.version = 14 : i64} {
  func.func @_deg_body(%arg0: i32, %arg1: i32, %arg2: memref<1280x128xi32, #tpu.memory_space<hbm>>, %arg3: memref<20480x16xf32, #tpu.memory_space<hbm>>, %arg4: memref<128x16xf32, #tpu.memory_space<vmem>>, %arg5: memref<40x128xi32, #tpu.memory_space<vmem>>, %arg6: memref<64x16xf32, #tpu.memory_space<vmem>>, %arg7: memref<10240x16xf32, #tpu.memory_space<vmem_shared>>) attributes {dimension_semantics = [#tpu.dimension_semantics<core_parallel>, #tpu.dimension_semantics<subcore_parallel>], iteration_bounds = array<i64: 2, 16>, scalar_prefetch = 0 : i64, scratch_operands = 4 : i64, tpu.core_type = #tpu.core_type<sc_vector_subcore>, window_params = [{transform_indices = #map}, {transform_indices = #map}]} {
    %mul3A = arith.constant 16 : i32
    %mul3A_0 = arith.muli %arg0, %mul3A : i32
    %add3A = arith.addi %mul3A_0, %arg1 : i32
    %scan3A = arith.constant 0 : i32
    %scan3A_1 = arith.constant 0 : i32
    %scan3A_2 = arith.constant 128 : i32
    %scan3A_3 = arith.addi %scan3A_1, %scan3A_2 : i32
    %scan3A_4 = arith.constant 1 : i32
    %scan3A_5 = scf.for %scan3A_38 = %scan3A_1 to %scan3A_3 step %scan3A_4 iter_args(%scan3A_39 = %scan3A) -> (i32)  : i32 {
      %scan3A_40 = arith.constant 0 : i32
      %scan3A_41 = arith.constant 0 : i32
      %broadcast_in_dim3A = arith.constant 1.000000e+00 : f32
      %broadcast_in_dim3A_42 = vector.broadcast %broadcast_in_dim3A : f32 to vector<16xf32>
      %mul3A_43 = arith.constant 16 : i32
      %mul3A_44 = arith.muli %scan3A_41, %mul3A_43 : i32
      %swap3A = arith.index_cast %scan3A_38 : i32 to index
      %swap3A_45 = arith.index_cast %mul3A_44 : i32 to index
      %swap3A_46 = tpu.vector_load %arg4[%swap3A, %swap3A_45] {strides = array<i32>} : memref<128x16xf32, #tpu.memory_space<vmem>>, vector<1x16xf32>,
      %swap3A_47 = vector.shape_cast %swap3A_46 : vector<1x16xf32> to vector<16xf32>
      %swap3A_48 = vector.shape_cast %broadcast_in_dim3A_42 : vector<16xf32> to vector<1x16xf32>
      tpu.vector_store %arg4[%swap3A, %swap3A_45], %swap3A_48 {strides = array<i32>} : memref<128x16xf32, #tpu.memory_space<vmem>>, vector<1x16xf32>,
      %scan3A_49 = arith.constant 0 : i32
      %scan3A_50 = arith.constant 1 : i32
      scf.yield %scan3A_49 : i32
    }
    %scan3A_6 = arith.constant 128 : i32
    %scan3A_7 = arith.constant 0 : i32
    %scan3A_8 = arith.constant 0 : i32
    %scan3A_9 = arith.constant 64 : i32
    %scan3A_10 = arith.addi %scan3A_8, %scan3A_9 : i32
    %scan3A_11 = arith.constant 1 : i32
    %scan3A_12 = scf.for %scan3A_38 = %scan3A_8 to %scan3A_10 step %scan3A_11 iter_args(%scan3A_39 = %scan3A_7) -> (i32)  : i32 {
      %scan3A_40 = arith.constant 0 : i32
      %scan3A_41 = arith.constant 0 : i32
      %broadcast_in_dim3A = arith.constant 0.000000e+00 : f32
      %broadcast_in_dim3A_42 = vector.broadcast %broadcast_in_dim3A : f32 to vector<16xf32>
      %mul3A_43 = arith.constant 16 : i32
      %mul3A_44 = arith.muli %scan3A_41, %mul3A_43 : i32
      %swap3A = arith.index_cast %scan3A_38 : i32 to index
      %swap3A_45 = arith.index_cast %mul3A_44 : i32 to index
      %swap3A_46 = tpu.vector_load %arg6[%swap3A, %swap3A_45] {strides = array<i32>} : memref<64x16xf32, #tpu.memory_space<vmem>>, vector<1x16xf32>,
      %swap3A_47 = vector.shape_cast %swap3A_46 : vector<1x16xf32> to vector<16xf32>
      %swap3A_48 = vector.shape_cast %broadcast_in_dim3A_42 : vector<16xf32> to vector<1x16xf32>
      tpu.vector_store %arg6[%swap3A, %swap3A_45], %swap3A_48 {strides = array<i32>} : memref<64x16xf32, #tpu.memory_space<vmem>>, vector<1x16xf32>,
      %scan3A_49 = arith.constant 0 : i32
      %scan3A_50 = arith.constant 1 : i32
      scf.yield %scan3A_49 : i32
    }
    %scan3A_13 = arith.constant 64 : i32
    %scan3A_14 = arith.constant 0 : i32
    %scan3A_15 = arith.constant 0 : i32
    %scan3A_16 = arith.constant 10 : i32
    %scan3A_17 = arith.addi %scan3A_15, %scan3A_16 : i32
    %scan3A_18 = arith.constant 1 : i32
    %scan3A_19 = scf.for %scan3A_38 = %scan3A_15 to %scan3A_17 step %scan3A_18 iter_args(%scan3A_39 = %scan3A_14) -> (i32)  : i32 {
      %mul3A_40 = arith.constant 640 : i32
      %mul3A_41 = arith.muli %arg1, %mul3A_40 : i32
      %mul3A_42 = arith.constant 64 : i32
      %mul3A_43 = arith.muli %scan3A_38, %mul3A_42 : i32
      %add3A_44 = arith.addi %mul3A_41, %mul3A_43 : i32
      "tpu.region"() ({
        %run_scoped3A = tpu.sem_alloc : memref<!tpu.dma_semaphore, #tpu.memory_space<semaphore_mem>>
        %dma_start3A = arith.constant 0 : i32
        %dma_start3A_46 = tpu.memref_slice %arg7[%add3A_44, %dma_start3A] : memref<10240x16xf32, #tpu.memory_space<vmem_shared>> -> memref<64x16xf32, #tpu.memory_space<vmem_shared>>
        %dma_start3A_47 = arith.constant 0 : i32
        %dma_start3A_48 = tpu.memref_slice %arg7[%add3A_44, %dma_start3A_47] : memref<10240x16xf32, #tpu.memory_space<vmem_shared>> -> memref<64x16xf32, #tpu.memory_space<vmem_shared>>
        tpu.enqueue_dma source(%arg6 : memref<64x16xf32, #tpu.memory_space<vmem>>) target(%dma_start3A_48 : memref<64x16xf32, #tpu.memory_space<vmem_shared>>) target_semaphore(%run_scoped3A : memref<!tpu.dma_semaphore, #tpu.memory_space<semaphore_mem>>)
        %dma_wait3A = arith.constant 0 : i32
        %dma_wait3A_49 = tpu.memref_slice %arg7[%add3A_44, %dma_wait3A] : memref<10240x16xf32, #tpu.memory_space<vmem_shared>> -> memref<64x16xf32, #tpu.memory_space<vmem_shared>>
        %dma_wait3A_50 = arith.constant 0 : i32
        %dma_wait3A_51 = tpu.memref_slice %arg7[%add3A_44, %dma_wait3A_50] : memref<10240x16xf32, #tpu.memory_space<vmem_shared>> -> memref<64x16xf32, #tpu.memory_space<vmem_shared>>
        tpu.wait_dma2 semaphore(%run_scoped3A : memref<!tpu.dma_semaphore, #tpu.memory_space<semaphore_mem>>) src(%arg6 : memref<64x16xf32, #tpu.memory_space<vmem>>) dst(%dma_wait3A_51 : memref<64x16xf32, #tpu.memory_space<vmem_shared>>)
        tpu.yield
      }) : () -> ()
      %scan3A_45 = arith.constant 0 : i32
      scf.yield %scan3A_45 : i32
    }
    %scan3A_20 = arith.constant 10 : i32
    %mul3A_21 = arith.constant 40 : i32
    %mul3A_22 = arith.muli %add3A, %mul3A_21 : i32
    "tpu.region"() ({
      %run_scoped3A = tpu.sem_alloc : memref<!tpu.dma_semaphore, #tpu.memory_space<semaphore_mem>>
      %dma_start3A = arith.constant 0 : i32
      %dma_start3A_38 = tpu.memref_slice %arg2[%mul3A_22, %dma_start3A] : memref<1280x128xi32, #tpu.memory_space<hbm>> -> memref<40x128xi32, #tpu.memory_space<hbm>>
      %dma_start3A_39 = arith.constant 0 : i32
      %dma_start3A_40 = tpu.memref_slice %arg2[%mul3A_22, %dma_start3A_39] : memref<1280x128xi32, #tpu.memory_space<hbm>> -> memref<40x128xi32, #tpu.memory_space<hbm>>
      tpu.enqueue_dma source(%dma_start3A_40 : memref<40x128xi32, #tpu.memory_space<hbm>>) target(%arg5 : memref<40x128xi32, #tpu.memory_space<vmem>>) target_semaphore(%run_scoped3A : memref<!tpu.dma_semaphore, #tpu.memory_space<semaphore_mem>>)
      %dma_wait3A = arith.constant 0 : i32
      %dma_wait3A_41 = tpu.memref_slice %arg2[%mul3A_22, %dma_wait3A] : memref<1280x128xi32, #tpu.memory_space<hbm>> -> memref<40x128xi32, #tpu.memory_space<hbm>>
      %dma_wait3A_42 = arith.constant 0 : i32
      %dma_wait3A_43 = tpu.memref_slice %arg2[%mul3A_22, %dma_wait3A_42] : memref<1280x128xi32, #tpu.memory_space<hbm>> -> memref<40x128xi32, #tpu.memory_space<hbm>>
      tpu.wait_dma2 semaphore(%run_scoped3A : memref<!tpu.dma_semaphore, #tpu.memory_space<semaphore_mem>>) src(%dma_wait3A_43 : memref<40x128xi32, #tpu.memory_space<hbm>>) dst(%arg5 : memref<40x128xi32, #tpu.memory_space<vmem>>)
      tpu.yield
    }) : () -> ()
    %barrier3A = arith.constant 0 : index
    tpu.barrier barrier_id(%barrier3A)
    %scan3A_23 = arith.constant 0 : i32
    %scan3A_24 = arith.constant 0 : i32
    %scan3A_25 = arith.constant 40 : i32
    %scan3A_26 = arith.addi %scan3A_24, %scan3A_25 : i32
    %scan3A_27 = arith.constant 1 : i32
    %scan3A_28 = scf.for %scan3A_38 = %scan3A_24 to %scan3A_26 step %scan3A_27 iter_args(%scan3A_39 = %scan3A_23) -> (i32)  : i32 {
      "tpu.region"() ({
        %run_scoped3A = tpu.sem_alloc : memref<!tpu.dma_semaphore, #tpu.memory_space<semaphore_mem>>
        %dma_start3A = arith.constant 0 : i32
        %dma_start3A_41 = tpu.memref_slice %arg5[%scan3A_38, %dma_start3A] : memref<40x128xi32, #tpu.memory_space<vmem>> -> memref<1x128xi32, #tpu.memory_space<vmem>>
        %dma_start3A_42 = tpu.memref_squeeze %dma_start3A_41 : memref<1x128xi32, #tpu.memory_space<vmem>> -> memref<128xi32, #tpu.memory_space<vmem>>
        %dma_start3A_43 = arith.constant 0 : i32
        %dma_start3A_44 = arith.constant 0 : i32
        %dma_start3A_45 = tpu.memref_slice %arg7[%dma_start3A_43, %dma_start3A_44] : memref<10240x16xf32, #tpu.memory_space<vmem_shared>> -> memref<10240x16xf32, #tpu.memory_space<vmem_shared>>
        tpu.enqueue_indirect_dma source(%arg4 : memref<128x16xf32, #tpu.memory_space<vmem>>) target(%dma_start3A_45 : memref<10240x16xf32, #tpu.memory_space<vmem_shared>>) offsets(%dma_start3A_42 : memref<128xi32, #tpu.memory_space<vmem>>) semaphore(%run_scoped3A : memref<!tpu.dma_semaphore, #tpu.memory_space<semaphore_mem>>) {add = true}
        %dma_wait3A = arith.constant 0 : i32
        %dma_wait3A_46 = tpu.memref_slice %arg5[%scan3A_38, %dma_wait3A] : memref<40x128xi32, #tpu.memory_space<vmem>> -> memref<1x128xi32, #tpu.memory_space<vmem>>
        %dma_wait3A_47 = tpu.memref_squeeze %dma_wait3A_46 : memref<1x128xi32, #tpu.memory_space<vmem>> -> memref<128xi32, #tpu.memory_space<vmem>>
        %dma_wait3A_48 = arith.constant 0 : i32
        %dma_wait3A_49 = arith.constant 0 : i32
        %dma_wait3A_50 = tpu.memref_slice %arg7[%dma_wait3A_48, %dma_wait3A_49] : memref<10240x16xf32, #tpu.memory_space<vmem_shared>> -> memref<10240x16xf32, #tpu.memory_space<vmem_shared>>
        tpu.wait_indirect_dma semaphore(%run_scoped3A : memref<!tpu.dma_semaphore, #tpu.memory_space<semaphore_mem>>) src(%arg4 : memref<128x16xf32, #tpu.memory_space<vmem>>) dst(%dma_wait3A_50 : memref<10240x16xf32, #tpu.memory_space<vmem_shared>>)
        tpu.yield
      }) : () -> ()
      %scan3A_40 = arith.constant 0 : i32
      scf.yield %scan3A_40 : i32
    }
    %scan3A_29 = arith.constant 40 : i32
    %barrier3A_30 = arith.constant 0 : index
    tpu.barrier barrier_id(%barrier3A_30)
    %mul3A_31 = arith.constant 640 : i32
    %mul3A_32 = arith.muli %arg1, %mul3A_31 : i32
    %mul3A_33 = arith.constant 10240 : i32
    %mul3A_34 = arith.muli %arg0, %mul3A_33 : i32
    %mul3A_35 = arith.constant 640 : i32
    %mul3A_36 = arith.muli %arg1, %mul3A_35 : i32
    %add3A_37 = arith.addi %mul3A_34, %mul3A_36 : i32
    "tpu.region"() ({
      %run_scoped3A = tpu.sem_alloc : memref<!tpu.dma_semaphore, #tpu.memory_space<semaphore_mem>>
      %dma_start3A = arith.constant 0 : i32
      %dma_start3A_38 = tpu.memref_slice %arg3[%add3A_37, %dma_start3A] : memref<20480x16xf32, #tpu.memory_space<hbm>> -> memref<640x16xf32, #tpu.memory_space<hbm>>
      %dma_start3A_39 = arith.constant 0 : i32
      %dma_start3A_40 = tpu.memref_slice %arg7[%mul3A_32, %dma_start3A_39] : memref<10240x16xf32, #tpu.memory_space<vmem_shared>> -> memref<640x16xf32, #tpu.memory_space<vmem_shared>>
      tpu.enqueue_dma source(%dma_start3A_40 : memref<640x16xf32, #tpu.memory_space<vmem_shared>>) target(%dma_start3A_38 : memref<640x16xf32, #tpu.memory_space<hbm>>) target_semaphore(%run_scoped3A : memref<!tpu.dma_semaphore, #tpu.memory_space<semaphore_mem>>)
      %dma_wait3A = arith.constant 0 : i32
      %dma_wait3A_41 = tpu.memref_slice %arg3[%add3A_37, %dma_wait3A] : memref<20480x16xf32, #tpu.memory_space<hbm>> -> memref<640x16xf32, #tpu.memory_space<hbm>>
      %dma_wait3A_42 = arith.constant 0 : i32
      %dma_wait3A_43 = tpu.memref_slice %arg7[%mul3A_32, %dma_wait3A_42] : memref<10240x16xf32, #tpu.memory_space<vmem_shared>> -> memref<640x16xf32, #tpu.memory_space<vmem_shared>>
      tpu.wait_dma2 semaphore(%run_scoped3A : memref<!tpu.dma_semaphore, #tpu.memory_space<semaphore_mem>>) src(%dma_wait3A_43 : memref<640x16xf32, #tpu.memory_space<vmem_shared>>) dst(%dma_wait3A_41 : memref<640x16xf32, #tpu.memory_space<hbm>>)
      tpu.yield
    }) : () -> ()
    return
  }
}

module attributes {stable_mosaic.version = 14 : i64} {
  func.func @_tc_b_body(%arg0: i32, %arg1: i32, %arg2: memref<256x256xf32, #tpu.memory_space<vmem>>, %arg3: memref<256x128xf32, #tpu.memory_space<vmem>>, %arg4: memref<256x16xf32, #tpu.memory_space<vmem>>, %arg5: memref<256x16xf32, #tpu.memory_space<vmem>>, %arg6: memref<256x128xf32, #tpu.memory_space<vmem>>) attributes {dimension_semantics = [#tpu.dimension_semantics<arbitrary>, #tpu.dimension_semantics<arbitrary>], iteration_bounds = array<i64: 2, 40>, scalar_prefetch = 0 : i64, scratch_operands = 0 : i64, tpu.core_type = #tpu.core_type<tc>, window_params = [{transform_indices = @transform_0, window_bounds = array<i64: 256, 256>}, {transform_indices = @transform_1, window_bounds = array<i64: 256, 128>}, {transform_indices = @transform_2, window_bounds = array<i64: 256, 16>}, {transform_indices = @transform_3, window_bounds = array<i64: 256, 16>}, {transform_indices = @transform_4, window_bounds = array<i64: 256, 128>}]} {
    %get3A = arith.constant 0 : index
    %get3A_0 = arith.constant 0 : index
    %get3A_1 = vector.load %arg4[%get3A, %get3A_0] : memref<256x16xf32, #tpu.memory_space<vmem>>, vector<256x16xf32>
    %get3A_2 = arith.constant 0 : index
    %get3A_3 = arith.constant 0 : index
    %get3A_4 = vector.load %arg5[%get3A_2, %get3A_3] : memref<256x16xf32, #tpu.memory_space<vmem>>, vector<256x16xf32>
    %slice3A = vector.extract_strided_slice %get3A_1 {offsets = [0, 0], sizes = [256, 1], strides = [1, 1]} : vector<256x16xf32> to vector<256x1xf32>
    %slice3A_5 = vector.extract_strided_slice %get3A_4 {offsets = [0, 0], sizes = [256, 1], strides = [1, 1]} : vector<256x16xf32> to vector<256x1xf32>
    %add3A = arith.addf %slice3A, %slice3A_5 : vector<256x1xf32>
    %add3A_6 = arith.constant 1.000000e+00 : f32
    %add3A_7 = vector.broadcast %add3A_6 : f32 to vector<256x1xf32>
    %add3A_8 = arith.addf %add3A, %add3A_7 : vector<256x1xf32>
    %rsqrt3A = math.rsqrt %add3A_8 : vector<256x1xf32>
    %get3A_9 = arith.constant 0 : index
    %get3A_10 = arith.constant 0 : index
    %get3A_11 = vector.load %arg2[%get3A_9, %get3A_10] : memref<256x256xf32, #tpu.memory_space<vmem>>, vector<256x256xf32>
    %get3A_12 = arith.constant 0 : index
    %get3A_13 = arith.constant 0 : index
    %get3A_14 = vector.load %arg3[%get3A_12, %get3A_13] : memref<256x128xf32, #tpu.memory_space<vmem>>, vector<256x128xf32>
    %dot_general3A = arith.constant dense<0.000000e+00> : vector<256x128xf32>
    %dot_general3A_15 = tpu.matmul %get3A_11, %get3A_14, %dot_general3A {dimension_numbers = #tpu.dot_dimension_numbers<[1], [0], [0], [1], [0, 0, 1, 1], [], []>, transpose_lhs_hint = false} : vector<256x256xf32>, vector<256x128xf32>, vector<256x128xf32> -> vector<256x128xf32>
    %mul3A = arith.constant 256 : i32
    %mul3A_16 = arith.muli %arg1, %mul3A : i32
    %iota3A = tpu.iota {dimensions = array<i32: 0>} : vector<256x1xi32>
    %add3A_17 = vector.broadcast %mul3A_16 : i32 to vector<256x1xi32>
    %add3A_18 = arith.addi %add3A_17, %iota3A : vector<256x1xi32>
    %lt3A = arith.constant 10000 : i32
    %lt3A_19 = vector.broadcast %lt3A : i32 to vector<256x1xi32>
    %lt3A_20 = arith.cmpi slt, %add3A_18, %lt3A_19 : vector<256x1xi32>
    %mul3A_21 = vector.broadcast %rsqrt3A : vector<256x1xf32> to vector<256x128xf32>
    %mul3A_22 = arith.mulf %dot_general3A_15, %mul3A_21 : vector<256x128xf32>
    %jit3A = arith.constant 0.000000e+00 : f32
    %broadcast_in_dim3A = vector.shape_cast %lt3A_20 : vector<256x1xi1> to vector<256x1xi1>
    %broadcast_in_dim3A_23 = vector.broadcast %broadcast_in_dim3A : vector<256x1xi1> to vector<256x128xi1>
    %broadcast_in_dim3A_24 = vector.broadcast %jit3A : f32 to vector<256x128xf32>
    %select_n3A = arith.select %broadcast_in_dim3A_23, %mul3A_22, %broadcast_in_dim3A_24 : vector<256x128xi1>, vector<256x128xf32>
    %swap3A = arith.constant 0 : index
    %swap3A_25 = arith.constant 0 : index
    %swap3A_26 = vector.load %arg6[%swap3A, %swap3A_25] : memref<256x128xf32, #tpu.memory_space<vmem>>, vector<256x128xf32>
    tpu.vector_store %arg6[%swap3A, %swap3A_25], %select_n3A {strides = array<i32>} : memref<256x128xf32, #tpu.memory_space<vmem>>, vector<256x128xf32>,
    return
  }
  func.func @transform_0(%arg0: i32, %arg1: i32) -> (i32, i32) {
    %c0_i32 = arith.constant 0 : i32
    %c0_i32_0 = arith.constant 0 : i32
    return %arg1, %c0_i32 : i32, i32
  }
  func.func @transform_1(%arg0: i32, %arg1: i32) -> (i32, i32) {
    %c0_i32 = arith.constant 0 : i32
    %c0_i32_0 = arith.constant 0 : i32
    return %c0_i32, %arg0 : i32, i32
  }
  func.func @transform_2(%arg0: i32, %arg1: i32) -> (i32, i32) {
    %c0_i32 = arith.constant 0 : i32
    %c0_i32_0 = arith.constant 0 : i32
    return %arg1, %c0_i32 : i32, i32
  }
  func.func @transform_3(%arg0: i32, %arg1: i32) -> (i32, i32) {
    %c0_i32 = arith.constant 0 : i32
    %c0_i32_0 = arith.constant 0 : i32
    return %arg1, %c0_i32 : i32, i32
  }
  func.func @transform_4(%arg0: i32, %arg1: i32) -> (i32, i32) {
    %mul3A = arith.constant 40 : i32
    %mul3A_0 = arith.muli %arg0, %mul3A : i32
    %add3A = arith.addi %mul3A_0, %arg1 : i32
    %c0_i32 = arith.constant 0 : i32
    %c0_i32_1 = arith.constant 0 : i32
    return %add3A, %c0_i32 : i32, i32
  }
}

</mosaic_0001>

<sc_bundles>
// kernel: kernel.5.cloned.1.call-start
scs
__scs_entry_jumppad:
0x0: {  	(pc) =	sbr.rel $0x88, $3  }
0x1: {  	(tag) =	ssettag $0x0;
	lr =	simm.s32 $0x1  }
0x2: {  	[smem:$0x3F9A] =	sst lr;
	_ =	strace $0xD0000000  }
0x3: {  	_ = 	snop  }
0x4: {  	_ = 	snop  }
0x5: {  	_ = 	snop  }
0x6: {  	_ = 	snop  }
0x7: {  	_ = 	snop  }
__scs_overlays_trampoline_lowered:
0x8: {  	[smem:$0x3FA9] =	sst s0  }
0x9: {  	[smem:$0x3FAA] =	sst s1  }
0xa: {  	[smem:$0x3FAB] =	sst s2  }
0xb: {  	[smem:$0x3FAC] =	sst s3  }
0xc: {  	[smem:$0x3FAD] =	sst s4  }
0xd: {  	[smem:$0x3FAE] =	sst s5  }
0xe: {  	[smem:$0x3FAF] =	sst s6  }
0xf: {  	[smem:$0x3FB0] =	sst s7  }
0x10: {  	[smem:$0x3FB1] =	sst s8  }
0x11: {  	[smem:$0x3FB2] =	sst s9;
	s0 =	simm.s32 @!p0 $0x0  }
0x12: {  	s1 =	sld [smem:$0x3F98];
	s0 =	simm.s32 @p0 $0x1  }
0x13: {  	[smem:$0x3FB3] =	sst s0;
	s0 =	simm.s32 @!p1 $0x0  }
0x14: {  	s2 =	sld [smem:$0x3F97];
	s0 =	simm.s32 @p1 $0x1  }
0x15: {  	[smem:$0x3FB4] =	sst s0;
	s0 =	simm.s32 @!p2 $0x0  }
0x16: {  	s3 =	sld [smem:$0x3FDB];
	s0 =	simm.s32 @p2 $0x1  }
0x17: {  	s4 =	simm.s32 $0x1BF5;
	[smem:$0x3FB6] =	sst s0  }
0x18: {  	s0 =	sld [smem:$0x3F99];
	_ =	swait.ge [sflag:s4], $0x0  }
0x19: {  	s7 =	sld [smem:$0x3F9A]  }
0x1a: {  	s8 =	sadd.s32 $0xFFFFE003, lr  }
0x1b: {  	s9 =	sadd.s32 $0xFFFFFEF7, lr;
	s5 =	simm.s32 $0xFFFFFFFF;
	p2 =	slt.u32 s8, $0xFFFFF086  }
0x1c: {  	p1 =	slt.u32 s9, $0xF7A;
	s5 =	simm.s32 @!p2 $0x0  }
0x1d: {  	s5 =	simm.s32 @p1 $0x1;
	p0 =	seq.s32 s7, s2  }
0x1e: {  	s7 =	smul.u32 @!p0 $0xF7A, s2;
	p2 =	seq.s32 @!p0 s5, $0x0  }
0x1f: {  	s9 =	smul.u32 $0xF7A, s1;
	s8 =	simm.s32 @!p0 $0x1BF5;
	p2 =	por !p2, p0  }
0x20: {  	[sflag:s8] =	ssyncset.s32 @!p0 $0xFFFFF086;
	s6 =	sadd.s32 @!p0 s3, s7;
	s7 =	simm.s32 @!p0 $0x108  }
0x21: {  	s3 =	sadd.s32 s3, s9;
	s6 =	sadd.s32 @!p0 $0x88, s6;
	s7 =	simm.s32 @p2 $0x1082  }
0x22: {  	[simem:s7], [sflag:s8] =	dma.local @!p0 [hbm:s6], $0xF7A  }
0x23: {  	s9 =	sor.u32 $0xD0000000, s2;
	s6 =	simm.s32 $0x108;
	_ =	swait.ge @!p0 [sflag:s8], $0x0  }
0x24: {  	s3 =	sadd.s32 $0x88, s3;
	s6 =	simm.s32 @!p1 $0x1082;
	[sflag:s4] =	ssyncset.s32 $0xFFFFF086  }
0x25: {  	[simem:s6], [sflag:s4] =	dma.local [hbm:s3], $0xF7A  }
0x26: {  	[smem:$0x3F9A] =	sst s1;
	(tag) =	ssettag s2;
	_ =	strace s9  }
0x27: {  	s1 =	sld [smem:$0x3FAA]  }
0x28: {  	s2 =	sld [smem:$0x3FAB]  }
0x29: {  	s4 =	sld [smem:$0x3FAD]  }
0x2a: {  	p0 =	seq.s32 s5, $0x0;
	s5 =	sld [smem:$0x3FAE]  }
0x2b: {  	s6 =	sld [smem:$0x3FAF]  }
0x2c: {  	s7 =	sld [smem:$0x3FB0]  }
0x2d: {  	s3 =	simm.s32 $0x108;
	s8 =	sld [smem:$0x3FB1]  }
0x2e: {  	s3 =	simm.s32 @!p0 $0x1082;
	s9 =	sld [smem:$0x3FB2]  }
0x2f: {  	lr =	sadd.s32 s0, s3;
	s0 =	sld [smem:$0x3FA9]  }
0x30: {  	s3 =	sld [smem:$0x3FAC]  }
0x31: {  	[smem:$0x3FB5] =	sst s10  }
0x32: {  	s10 =	sld [smem:$0x3FB3];
	_ =	sdelay $0x3  }
0x33: {  	p0 =	seq.s32 s10, $0x1;
	s10 =	sld [smem:$0x3FB5];
	_ =	sdelay $0x3  }
0x34: {  	[smem:$0x3FB5] =	sst s10  }
0x35: {  	s10 =	sld [smem:$0x3FB4];
	_ =	sdelay $0x3  }
0x36: {  	p1 =	seq.s32 s10, $0x1;
	s10 =	sld [smem:$0x3FB5];
	_ =	sdelay $0x3  }
0x37: {  	[smem:$0x3FB5] =	sst s10  }
0x38: {  	s10 =	sld [smem:$0x3FB6]  }
0x39: {  	_ = 	snop;
	(pc) =	sbr.ind lr, $3  }
0x3a: {  	_ = 	snop  }
0x3b: {  	_ = 	snop  }
0x3c: {  	p2 =	seq.s32 s10, $0x1;
	s10 =	sld [smem:$0x3FB5]  }
0x3d: {  	_ =	shalt  }
0x3e: {  	_ =	shalt  }
0x3f: {  	_ =	shalt  }
0x40: {  	_ =	shalt  }
0x41: {  	_ =	shalt  }
0x42: {  	_ =	shalt  }
0x43: {  	_ =	shalt  }
0x44: {  	_ =	shalt  }
0x45: {  	_ =	shalt  }
0x46: {  	_ =	shalt  }
0x47: {  	_ =	shalt  }
0x48: {  	_ =	shalt  }
0x49: {  	_ =	shalt  }
0x4a: {  	_ =	shalt  }
0x4b: {  	_ =	shalt  }
0x4c: {  	_ =	shalt  }
0x4d: {  	_ =	shalt  }
0x4e: {  	_ =	shalt  }
0x4f: {  	_ =	shalt  }
0x50: {  	_ =	shalt  }
0x51: {  	_ =	shalt  }
0x52: {  	_ =	shalt  }
0x53: {  	_ =	shalt  }
0x54: {  	_ =	shalt  }
0x55: {  	_ =	shalt  }
0x56: {  	_ =	shalt  }
0x57: {  	_ =	shalt  }
0x58: {  	_ =	shalt  }
0x59: {  	_ =	shalt  }
0x5a: {  	_ =	shalt  }
0x5b: {  	_ =	shalt  }
0x5c: {  	_ =	shalt  }
0x5d: {  	_ =	shalt  }
0x5e: {  	_ =	shalt  }
0x5f: {  	_ =	shalt  }
0x60: {  	_ =	shalt  }
0x61: {  	_ =	shalt  }
0x62: {  	_ =	shalt  }
0x63: {  	_ =	shalt  }
0x64: {  	_ =	shalt  }
0x65: {  	_ =	shalt  }
0x66: {  	_ =	shalt  }
0x67: {  	_ =	shalt  }
0x68: {  	_ =	shalt  }
0x69: {  	_ =	shalt  }
0x6a: {  	_ =	shalt  }
0x6b: {  	_ =	shalt  }
0x6c: {  	_ =	shalt  }
0x6d: {  	_ =	shalt  }
0x6e: {  	_ =	shalt  }
0x6f: {  	_ =	shalt  }
0x70: {  	_ =	shalt  }
0x71: {  	_ =	shalt  }
0x72: {  	_ =	shalt  }
0x73: {  	_ =	shalt  }
0x74: {  	_ =	shalt  }
0x75: {  	_ =	shalt  }
0x76: {  	_ =	shalt  }
0x77: {  	_ =	shalt  }
0x78: {  	_ =	shalt  }
0x79: {  	_ =	shalt  }
0x7a: {  	_ =	shalt  }
0x7b: {  	_ =	shalt  }
0x7c: {  	_ =	shalt  }
0x7d: {  	_ =	shalt  }
0x7e: {  	_ =	shalt  }
0x7f: {  	_ =	shalt  }
0x80: {  	_ =	shalt  }
0x81: {  	_ =	shalt  }
0x82: {  	_ =	shalt  }
0x83: {  	_ =	shalt  }
0x84: {  	_ =	shalt  }
0x85: {  	_ =	shalt  }
0x86: {  	_ =	shalt  }
0x87: {  	_ =	shalt  }
.Lfunc_end0:
.L_simem_size_0:
called_computation_lowered:
.L_overlay_start_0:
0x88: {  	s2 =	sld [smem:$0x3FD9]  }
0x89: {  	s3 =	sld [smem:$0x3FFE];
	_ =	sdelay $0x1  }
0x8a: {  	s1 =	srdreg.scid  }
0x8b: {  	s0 =	sand.u32 $0x1, s1  }
0x8c: {  	s16 =	sshll.u32 s0, $0xA;
	s2 =	sadd.s32 s3, s2  }
0x8d: {  	s2 =	sadd.s32 s2, s16  }
0x8e: {  	[smem:$0x3FC1] =	sst s2  }
0x8f: {  	_ = 	snop  }
0x90: {  	(tm) =	ssettm $0x1  }
0x91: {  	s17 =	sld [smem:$0x3FFB];
	_ =	sdelay $0x3  }
0x92: {  	_ =	strace s17  }
0x93: {  	s2 =	sld [smem:$0x3FFC];
	_ =	sdelay $0x3  }
0x94: {  	_ =	strace s2  }
0x95: {  	s2 =	sld [smem:$0x3FFD];
	_ =	sdelay $0x3  }
0x96: {  	_ =	strace s2  }
0x97: {  	_ =	strace $0x8FFFFFFF  }
0x98: {  	s18 =	sld [smem:$0x3FDB];
	_ =	sdelay $0x1  }
0x99: {  	s19 =	simm.s32 $_scs_section_size  }
0x9a: {  	s4 =	simm.s32 $_size__tile_overlayer_lowered;
	s5 =	simm.s32 $_tile_overlayer_lowered  }
0x9b: {  	s22 =	simm.s32 $0x1BFF;
	s21 =	sshll.u32 s5, $0x1;
	s2 =	sadd.s32 s19, s18  }
0x9c: {  	s6 =	simm.s32 $0x0;
	s20 =	sshll.u32 s4, $0x1;
	s4 =	sadd.s32 s21, s2  }
0x9d: {  	[timem:s6], [sflag:s22] =	dma.local [hbm:s4], s20  }
0x9e: {  	_ =	swait.ge [sflag:s22], s20  }
0x9f: {  	s3 =	ssub.s32 $0x0, s20;
	[sflag:s22] =	ssyncset.done $0x0  }
0xa0: {  	[sflag:s22] =	ssyncadd.s32 s3;
	_ =	sdelay $0x1  }
0xa1: {  	s23 =	simm.s32 $0x1B8B  }
0xa2: {  	_ =	swait.ge [sflag:s23], $0x1  }
0xa3: {  	[sflag:s23] =	ssyncset.done $0x0  }
0xa4: {  	s25 =	simm.s32 $0x1B8E;
	s24 =	sld [smem:$0x3FFE];
	[sflag:s23] =	ssyncadd.s32 $0xFFFFFFFF  }
0xa5: {  	s26 =	simm.s32 $execute0_lowered;
	[smem:$0x3FD2] =	sst s25  }
0xa6: {  	s4 =	sshll.u32 s26, $0x1;
	_ =	strace $0x80000046;
	[dreg:$0x1] =	wrdreg $0xFFFFFFFF  }
0xa7: {  	s28 =	simm.s32 $_size_execute0_lowered;
	s2 =	sadd.s32 s2, s4;
	[dreg:$0x0] =	wrdreg $0x0  }
0xa8: {  	s4 =	sshll.u32 s28, $0x1;
	[dreg:$0x2] =	wrdreg s2  }
0xa9: {  	[dreg:$0x3] =	wrdreg s4  }
0xaa: {  	[dreg:$0x4] =	wrdreg $0xC0  }
0xab: {  	_ =	task [dreg:s6], $0x5FFFF  }
0xac: {  	[dreg:$0x1] =	wrdreg $0xFFFFFFFF  }
0xad: {  	[dreg:$0x0] =	wrdreg $0x60  }
0xae: {  	[dreg:$0x2] =	wrdreg s24  }
0xaf: {  	[dreg:$0x3] =	wrdreg $0x74000  }
0xb0: {  	[dreg:$0x4] =	wrdreg $0x9  }
0xb1: {  	_ =	task.clear_ibuf [dreg:s6], $0x5FFFF;
	_ =	strace $0x90000046  }
0xb2: {  	s29 =	simm.s32 $0x9;
	_ =	strace $0x80000048  }
0xb3: {  	_ =	swait.ge [sflag:s29], $0x1  }
0xb4: {  	[sflag:s29] =	ssyncadd.s32 $0xFFFFFFFF  }
0xb5: {  	_ =	strace $0x90000048  }
0xb6: {  	_ =	sfence  }
0xb7: {  	s30 =	sld [smem:$0x0];
	_ =	sdelay $0x2  }
0xb8: {  	s31 =	sshll.u32 s1, $0xD;
	s1 =	sshrl.u32 s1, $0x2  }
0xb9: {  	s3 =	sand.u32 $0x4000, s31;
	s1 =	sadd.s32 s1, s30  }
0xba: {  	s0 =	sor.u32 s3, s0;
	s1 =	sshll.u32 s1, $0x11  }
0xbb: {  	s0 =	sor.u32 s1, s0  }
0xbc: {  	s0 =	sadd.s32 $0x8F2B, s0  }
0xbd: {  	[sflag:s0] =	ssyncadd.remote.s32 $0x1  }
0xbe: {  	_ =	sfence.sel $0xFFFF  }
0xbf: {  	[dreg:$0x0] =	wrdreg $0xFFFFFFFF;
	(pc) =	sbr.abs _section_cstart, $3  }
0xc0: {  	[dreg:$0x1] =	wrdreg $0xFFFFFFFF  }
0xc1: {  	_ =	task.clear_ibuf [dreg:s6], $0x2FFFF;
	_ =	strace $0x9FFFFFFF  }
0xc2: {  	(tm) =	ssettm $0x7FFFFFFF  }
0xc3: {  	_ =	shalt  }
tec
execute0_lowered:
.L_overlay_start_1:
0x0: {  	(tag) =	ssettag $0x1  }
0x1: {  	s5 =	rddreg [dreg:$0x0]  }
0x2: {  	s0 =	srdreg.scid;
	s2 =	rddreg [dreg:$0x1];
	s3 =	simm.s32 $0x0  }
0x3: {  	s17 =	simm.s32 $0x5400;
	s18 =	simm.s32 $0x1;
	s19 =	simm.s32 $0x4000  }
0x4: {  	s20 =	simm.s32 $0x80;
	s4 =	sand.u32 $0x1, s0;
	s0 =	stileid.u32  }
0x5: {  	s21 =	simm.s32 $0x0;
	[smem:$0x7FF] =	sst s3;
	s7 =	smul.u32 $0x28000, s4  }
0x6: {  	s1 =	sshll.u32 s4, $0x4;
	s8 =	smul.u32 $0x2800, s0;
	s4 =	ssub.s32 $0x2, s4  }
0x7: {  	s9 =	smul.u32 $0x50000, s0;
	s1 =	sor.u32 s0, s1;
	s30 =	sshrl.u32 s4, $0x1  }
0x8: {  	s6 =	smul.u32 $0x280, s1;
	s1 =	rddreg [dreg:$0x2];
	_ =	strace $0x80000047  }
0x9: {  	s7 =	sadd.s32 s8, s7;
	s8 =	ssub.s32 s4, s30;
	s31 =	sshrl.u32 s9, $0x2  }
0xa: {  	s7 =	sadd.s32 s7, s5;
	s4 =	sadd.s32 s31, s2;
	s6 =	sadd.s32 s6, s5  }
0xb: {  	s9 =	sadd.s32 $0x4000, s4;
	s10 =	sadd.s32 $0x6000, s4;
	s11 =	sadd.s32 $0x8000, s4  }
0xc: {  	s12 =	sadd.s32 $0xA000, s4;
	s13 =	sadd.s32 $0xC000, s4;
	s14 =	sadd.s32 $0xE000, s4  }
0xd: {  	s15 =	sadd.s32 $0x10000, s4;
	s16 =	sadd.s32 $0x12000, s4;
	s5 =	sadd.s32 $0x1400, s6  }
0xe: {  	v0 =	vimm.f32 $1.000000000e+00;
	v1 =	vimm.f32 $0.0e+00;
	s6 =	sadd.s32 $0x6400, s7;
	s7 =	smax.u32 s8, $0x1;
	s8 =	sadd.s32 $0x2000, s4  }
.LBB2_1:
0xf: {  	s22 =	simm.s32 $0x0  }
.LBB2_2:
0x10: {  	p0 =	sne.s32 s22, $0xFE00  }
.Ltmp0:
0x11: {  	_ = 	snop;
	(pc) =	sbr.rel @p0 .LBB2_2-.Ltmp0, $3  }
0x12: {  	_ =	sdelay $0x1  }
0x13: {  	s23 =	sshra.s32 s22, $0x2  }
0x14: {  	s22 =	sadd.s32 $0x200, s22;
	[tilespmem:s23+$0x0] =	vst v0  }
0x15: {  	s22 =	simm.s32 $0x200;
	s23 =	simm.s32 $0x0  }
.LBB2_4:
0x16: {  	p0 =	sne.s32 s22, $0x7E00;
	[tilespmem:s23+$0x5400] =	vst v1;
	s23 =	smov.u32 s22;
	s22 =	sadd.s32 $0x200, s22  }
.Ltmp1:
0x17: {  	(pc) =	sbr.rel @p0 .LBB2_4-.Ltmp1, $2  }
0x18: {  	_ =	sdelay $0x2  }
0x19: {  	s23 =	sshra.s32 s23, $0x2  }
0x1a: {  	[tilespmem:s23+$0x5400] =	vst v1  }
0x1b: {  	[spmem:s4] =	stream.linear.scatter [tilespmem:s17], [sflag:$0x1], $0x2000, $0x38;
	[tilespmem:$0x9C00] =	vst v63  }
0x1c: {  	_ =	swait.ge [sflag:s18], $0x2000  }
0x1d: {  	[sflag:s18] =	ssyncset.done $0x0  }
0x1e: {  	[sflag:s18] =	ssyncadd.s32 $0xFFFFE000  }
0x1f: {  	[spmem:s8] =	stream.linear.scatter [tilespmem:s17], [sflag:$0x1], $0x2000, $0x38;
	[tilespmem:$0x9C00] =	vst v63  }
0x20: {  	_ =	swait.ge [sflag:s18], $0x2000  }
0x21: {  	[sflag:s18] =	ssyncset.done $0x0  }
0x22: {  	[sflag:s18] =	ssyncadd.s32 $0xFFFFE000  }
0x23: {  	[spmem:s9] =	stream.linear.scatter [tilespmem:s17], [sflag:$0x1], $0x2000, $0x38;
	[tilespmem:$0x9C00] =	vst v63  }
0x24: {  	_ =	swait.ge [sflag:s18], $0x2000  }
0x25: {  	[sflag:s18] =	ssyncset.done $0x0  }
0x26: {  	[sflag:s18] =	ssyncadd.s32 $0xFFFFE000  }
0x27: {  	[spmem:s10] =	stream.linear.scatter [tilespmem:s17], [sflag:$0x1], $0x2000, $0x38;
	[tilespmem:$0x9C00] =	vst v63  }
0x28: {  	_ =	swait.ge [sflag:s18], $0x2000  }
0x29: {  	[sflag:s18] =	ssyncset.done $0x0  }
0x2a: {  	[sflag:s18] =	ssyncadd.s32 $0xFFFFE000  }
0x2b: {  	[spmem:s11] =	stream.linear.scatter [tilespmem:s17], [sflag:$0x1], $0x2000, $0x38;
	[tilespmem:$0x9C00] =	vst v63  }
0x2c: {  	_ =	swait.ge [sflag:s18], $0x2000  }
0x2d: {  	[sflag:s18] =	ssyncset.done $0x0  }
0x2e: {  	[sflag:s18] =	ssyncadd.s32 $0xFFFFE000  }
0x2f: {  	[spmem:s12] =	stream.linear.scatter [tilespmem:s17], [sflag:$0x1], $0x2000, $0x38;
	[tilespmem:$0x9C00] =	vst v63  }
0x30: {  	_ =	swait.ge [sflag:s18], $0x2000  }
0x31: {  	[sflag:s18] =	ssyncset.done $0x0  }
0x32: {  	[sflag:s18] =	ssyncadd.s32 $0xFFFFE000  }
0x33: {  	[spmem:s13] =	stream.linear.scatter [tilespmem:s17], [sflag:$0x1], $0x2000, $0x38;
	[tilespmem:$0x9C00] =	vst v63  }
0x34: {  	_ =	swait.ge [sflag:s18], $0x2000  }
0x35: {  	[sflag:s18] =	ssyncset.done $0x0  }
0x36: {  	[sflag:s18] =	ssyncadd.s32 $0xFFFFE000  }
0x37: {  	[spmem:s14] =	stream.linear.scatter [tilespmem:s17], [sflag:$0x1], $0x2000, $0x38;
	[tilespmem:$0x9C00] =	vst v63  }
0x38: {  	_ =	swait.ge [sflag:s18], $0x2000  }
0x39: {  	[sflag:s18] =	ssyncset.done $0x0  }
0x3a: {  	[sflag:s18] =	ssyncadd.s32 $0xFFFFE000  }
0x3b: {  	[spmem:s15] =	stream.linear.scatter [tilespmem:s17], [sflag:$0x1], $0x2000, $0x38;
	[tilespmem:$0x9C00] =	vst v63  }
0x3c: {  	_ =	swait.ge [sflag:s18], $0x2000  }
0x3d: {  	[sflag:s18] =	ssyncset.done $0x0  }
0x3e: {  	[sflag:s18] =	ssyncadd.s32 $0xFFFFE000  }
0x3f: {  	[spmem:s16] =	stream.linear.scatter [tilespmem:s17], [sflag:$0x1], $0x2000, $0x38;
	[tilespmem:$0x9C00] =	vst v63  }
0x40: {  	_ =	swait.ge [sflag:s18], $0x2000  }
0x41: {  	[sflag:s18] =	ssyncset.done $0x0  }
0x42: {  	s22 =	simm.s32 $0x0;
	[sflag:s18] =	ssyncadd.s32 $0xFFFFE000  }
0x43: {  	[tilespmem:s19], [sflag:$0x1] =	stream.linear.gather [hbm4b:s5+s22], $0x1400, $0x38;
	[tilespmem:$0x9C00] =	vst v63  }
0x44: {  	_ =	swait.ge [sflag:s18], $0x1400  }
0x45: {  	[sflag:s18] =	ssyncset.done $0x0  }
0x46: {  	[sflag:s18] =	ssyncadd.s32 $0xFFFFEC00  }
0x47: {  	s31 =	simm.s32 $0x4000;
	[bflag:$0x0] =	sbarrier.arrive $0xFFFF  }
0x48: {  	[spmem:s2] =	stream.indirect.scatter.add.f32 [tilespmem:s3], [sflag:$0x1], $0x10, s31, s20, $0xb8;
	[tilespmem:$0x9C00] =	vst v63  }
0x49: {  	s22 =	simm.s32 $0x200;
	_ =	swait.ge [sflag:s18], $0x800  }
.LBB2_6:
0x4a: {  	s23 =	sshra.s32 s22, $0x2;
	[sflag:s18] =	ssyncset.done $0x0;
	p0 =	sne.s32 s22, $0x4E00  }
.Ltmp2:
0x4b: {  	s23 =	sadd.s32 $0x4000, s23;
	[sflag:s18] =	ssyncadd.s32 $0xFFFFF800;
	(pc) =	sbr.rel @p0 .LBB2_6-.Ltmp2, $3  }
0x4c: {  	[spmem:s2] =	stream.indirect.scatter.add.f32 [tilespmem:s3], [sflag:$0x1], $0x10, s23, s20, $0xb8;
	[tilespmem:$0x9C00] =	vst v63  }
0x4d: {  	s22 =	sadd.s32 $0x200, s22;
	_ =	sdelay $0x1  }
0x4e: {  	_ =	swait.ge [sflag:s18], $0x800  }
0x4f: {  	[sflag:s18] =	ssyncset.done $0x0;
	s22 =	sshll.u32 s0, $0x6;
	s21 =	sadd.s32 $0x1, s21  }
0x50: {  	s23 =	sshrl.u32 s4, $0x3;
	[sflag:s18] =	ssyncadd.s32 $0xFFFFF800;
	p0 =	sne.s32 s21, s7  }
.Ltmp3:
0x51: {  	s22 =	sor.u32 $0x1C01, s22;
	[bflag:$0x0] =	sbarrier.arrive $0xFFFF;
	(pc) =	sbr.rel @p0 .LBB2_1-.Ltmp3, $4  }
0x52: {  	[hbm:s6], [sflag:s22] =	dma.local [spmem:s23], $0x2800  }
0x53: {  	_ =	swait.ge [sflag:s18], $0x2800  }
0x54: {  	[sflag:s18] =	ssyncset.done $0x0  }
0x55: {  	[sflag:s18] =	ssyncadd.s32 $0xFFFFD800  }
0x56: {  	_ =	sfence.sel $0x180000  }
0x57: {  	[bflag:$0x0] =	sbarrier.arrive $0xFFFF  }
0x58: {  	p0 =	sne.s32 s0, $0x0;
	_ =	strace $0x90000047  }
0x59: {  	s0 =	sadd.s32 @!p0 $0x100000, s1;
	[bflag:$0x2] =	sbarrier.arrive $0xFFFF  }
0x5a: {  	[sflag:s0] =	ssyncadd.tile.s32 @!p0 $0x1;
	_ =	shalt  }
.Lfunc_end2:
_tile_overlayer_lowered:
.L_overlay_start_2:
0x5b: {  	(tag) =	ssettag $0x2  }
0x5c: {  	s0 =	rddreg [dreg:$0x0];
	s2 =	stileid.u32  }
0x5d: {  	s1 =	rddreg [dreg:$0x1];
	p0 =	sne.s32 s2, $0x0  }
0x5e: {  	s3 =	rddreg [dreg:$0x2];
	[bflag:$0x3] =	sbarrier.arrive $0xFFFF;
	s2 =	simm.s32 @!p0 $0x1C01  }
0x5f: {  	[timem:s3], [sflag:s2] =	dma.local @!p0 [hbm:s0], s1  }
0x60: {  	s0 =	simm.s32 @!p0 $0x1  }
0x61: {  	_ =	swait.ge @!p0 [sflag:s0], s1  }
0x62: {  	s1 =	ssub.s32 @!p0 $0x0, s1;
	[sflag:s0] =	ssyncset.done @!p0 $0x0  }
0x63: {  	[sflag:s0] =	ssyncadd.s32 @!p0 s1  }
0x64: {  	[bflag:$0x3] =	sbarrier.arrive $0xFFFF  }
0x65: {  	_ =	shalt  }

// kernel: kernel.8.cloned.1.call-start
scs
__scs_entry_jumppad:
0x0: {  	(pc) =	sbr.rel $0x88, $3  }
0x1: {  	(tag) =	ssettag $0x0;
	lr =	simm.s32 $0x1  }
0x2: {  	[smem:$0x3F9A] =	sst lr;
	_ =	strace $0xD0000000  }
0x3: {  	_ = 	snop  }
0x4: {  	_ = 	snop  }
0x5: {  	_ = 	snop  }
0x6: {  	_ = 	snop  }
0x7: {  	_ = 	snop  }
__scs_overlays_trampoline_lowered:
0x8: {  	[smem:$0x3FA9] =	sst s0  }
0x9: {  	[smem:$0x3FAA] =	sst s1  }
0xa: {  	[smem:$0x3FAB] =	sst s2  }
0xb: {  	[smem:$0x3FAC] =	sst s3  }
0xc: {  	[smem:$0x3FAD] =	sst s4  }
0xd: {  	[smem:$0x3FAE] =	sst s5  }
0xe: {  	[smem:$0x3FAF] =	sst s6  }
0xf: {  	[smem:$0x3FB0] =	sst s7  }
0x10: {  	[smem:$0x3FB1] =	sst s8  }
0x11: {  	[smem:$0x3FB2] =	sst s9;
	s0 =	simm.s32 @!p0 $0x0  }
0x12: {  	s1 =	sld [smem:$0x3F98];
	s0 =	simm.s32 @p0 $0x1  }
0x13: {  	[smem:$0x3FB3] =	sst s0;
	s0 =	simm.s32 @!p1 $0x0  }
0x14: {  	s2 =	sld [smem:$0x3F97];
	s0 =	simm.s32 @p1 $0x1  }
0x15: {  	[smem:$0x3FB4] =	sst s0;
	s0 =	simm.s32 @!p2 $0x0  }
0x16: {  	s3 =	sld [smem:$0x3FDB];
	s0 =	simm.s32 @p2 $0x1  }
0x17: {  	s4 =	simm.s32 $0x1BF5;
	[smem:$0x3FB6] =	sst s0  }
0x18: {  	s0 =	sld [smem:$0x3F99];
	_ =	swait.ge [sflag:s4], $0x0  }
0x19: {  	s7 =	sld [smem:$0x3F9A]  }
0x1a: {  	s8 =	sadd.s32 $0xFFFFE003, lr  }
0x1b: {  	s9 =	sadd.s32 $0xFFFFFEF7, lr;
	s5 =	simm.s32 $0xFFFFFFFF;
	p2 =	slt.u32 s8, $0xFFFFF086  }
0x1c: {  	p1 =	slt.u32 s9, $0xF7A;
	s5 =	simm.s32 @!p2 $0x0  }
0x1d: {  	s5 =	simm.s32 @p1 $0x1;
	p0 =	seq.s32 s7, s2  }
0x1e: {  	s7 =	smul.u32 @!p0 $0xF7A, s2;
	p2 =	seq.s32 @!p0 s5, $0x0  }
0x1f: {  	s9 =	smul.u32 $0xF7A, s1;
	s8 =	simm.s32 @!p0 $0x1BF5;
	p2 =	por !p2, p0  }
0x20: {  	[sflag:s8] =	ssyncset.s32 @!p0 $0xFFFFF086;
	s6 =	sadd.s32 @!p0 s3, s7;
	s7 =	simm.s32 @!p0 $0x108  }
0x21: {  	s3 =	sadd.s32 s3, s9;
	s6 =	sadd.s32 @!p0 $0x88, s6;
	s7 =	simm.s32 @p2 $0x1082  }
0x22: {  	[simem:s7], [sflag:s8] =	dma.local @!p0 [hbm:s6], $0xF7A  }
0x23: {  	s9 =	sor.u32 $0xD0000000, s2;
	s6 =	simm.s32 $0x108;
	_ =	swait.ge @!p0 [sflag:s8], $0x0  }
0x24: {  	s3 =	sadd.s32 $0x88, s3;
	s6 =	simm.s32 @!p1 $0x1082;
	[sflag:s4] =	ssyncset.s32 $0xFFFFF086  }
0x25: {  	[simem:s6], [sflag:s4] =	dma.local [hbm:s3], $0xF7A  }
0x26: {  	[smem:$0x3F9A] =	sst s1;
	(tag) =	ssettag s2;
	_ =	strace s9  }
0x27: {  	s1 =	sld [smem:$0x3FAA]  }
0x28: {  	s2 =	sld [smem:$0x3FAB]  }
0x29: {  	s4 =	sld [smem:$0x3FAD]  }
0x2a: {  	p0 =	seq.s32 s5, $0x0;
	s5 =	sld [smem:$0x3FAE]  }
0x2b: {  	s6 =	sld [smem:$0x3FAF]  }
0x2c: {  	s7 =	sld [smem:$0x3FB0]  }
0x2d: {  	s3 =	simm.s32 $0x108;
	s8 =	sld [smem:$0x3FB1]  }
0x2e: {  	s3 =	simm.s32 @!p0 $0x1082;
	s9 =	sld [smem:$0x3FB2]  }
0x2f: {  	lr =	sadd.s32 s0, s3;
	s0 =	sld [smem:$0x3FA9]  }
0x30: {  	s3 =	sld [smem:$0x3FAC]  }
0x31: {  	[smem:$0x3FB5] =	sst s10  }
0x32: {  	s10 =	sld [smem:$0x3FB3];
	_ =	sdelay $0x3  }
0x33: {  	p0 =	seq.s32 s10, $0x1;
	s10 =	sld [smem:$0x3FB5];
	_ =	sdelay $0x3  }
0x34: {  	[smem:$0x3FB5] =	sst s10  }
0x35: {  	s10 =	sld [smem:$0x3FB4];
	_ =	sdelay $0x3  }
0x36: {  	p1 =	seq.s32 s10, $0x1;
	s10 =	sld [smem:$0x3FB5];
	_ =	sdelay $0x3  }
0x37: {  	[smem:$0x3FB5] =	sst s10  }
0x38: {  	s10 =	sld [smem:$0x3FB6]  }
0x39: {  	_ = 	snop;
	(pc) =	sbr.ind lr, $3  }
0x3a: {  	_ = 	snop  }
0x3b: {  	_ = 	snop  }
0x3c: {  	p2 =	seq.s32 s10, $0x1;
	s10 =	sld [smem:$0x3FB5]  }
0x3d: {  	_ =	shalt  }
0x3e: {  	_ =	shalt  }
0x3f: {  	_ =	shalt  }
0x40: {  	_ =	shalt  }
0x41: {  	_ =	shalt  }
0x42: {  	_ =	shalt  }
0x43: {  	_ =	shalt  }
0x44: {  	_ =	shalt  }
0x45: {  	_ =	shalt  }
0x46: {  	_ =	shalt  }
0x47: {  	_ =	shalt  }
0x48: {  	_ =	shalt  }
0x49: {  	_ =	shalt  }
0x4a: {  	_ =	shalt  }
0x4b: {  	_ =	shalt  }
0x4c: {  	_ =	shalt  }
0x4d: {  	_ =	shalt  }
0x4e: {  	_ =	shalt  }
0x4f: {  	_ =	shalt  }
0x50: {  	_ =	shalt  }
0x51: {  	_ =	shalt  }
0x52: {  	_ =	shalt  }
0x53: {  	_ =	shalt  }
0x54: {  	_ =	shalt  }
0x55: {  	_ =	shalt  }
0x56: {  	_ =	shalt  }
0x57: {  	_ =	shalt  }
0x58: {  	_ =	shalt  }
0x59: {  	_ =	shalt  }
0x5a: {  	_ =	shalt  }
0x5b: {  	_ =	shalt  }
0x5c: {  	_ =	shalt  }
0x5d: {  	_ =	shalt  }
0x5e: {  	_ =	shalt  }
0x5f: {  	_ =	shalt  }
0x60: {  	_ =	shalt  }
0x61: {  	_ =	shalt  }
0x62: {  	_ =	shalt  }
0x63: {  	_ =	shalt  }
0x64: {  	_ =	shalt  }
0x65: {  	_ =	shalt  }
0x66: {  	_ =	shalt  }
0x67: {  	_ =	shalt  }
0x68: {  	_ =	shalt  }
0x69: {  	_ =	shalt  }
0x6a: {  	_ =	shalt  }
0x6b: {  	_ =	shalt  }
0x6c: {  	_ =	shalt  }
0x6d: {  	_ =	shalt  }
0x6e: {  	_ =	shalt  }
0x6f: {  	_ =	shalt  }
0x70: {  	_ =	shalt  }
0x71: {  	_ =	shalt  }
0x72: {  	_ =	shalt  }
0x73: {  	_ =	shalt  }
0x74: {  	_ =	shalt  }
0x75: {  	_ =	shalt  }
0x76: {  	_ =	shalt  }
0x77: {  	_ =	shalt  }
0x78: {  	_ =	shalt  }
0x79: {  	_ =	shalt  }
0x7a: {  	_ =	shalt  }
0x7b: {  	_ =	shalt  }
0x7c: {  	_ =	shalt  }
0x7d: {  	_ =	shalt  }
0x7e: {  	_ =	shalt  }
0x7f: {  	_ =	shalt  }
0x80: {  	_ =	shalt  }
0x81: {  	_ =	shalt  }
0x82: {  	_ =	shalt  }
0x83: {  	_ =	shalt  }
0x84: {  	_ =	shalt  }
0x85: {  	_ =	shalt  }
0x86: {  	_ =	shalt  }
0x87: {  	_ =	shalt  }
.Lfunc_end0:
.L_simem_size_0:
called_computation.1_lowered:
.L_overlay_start_0:
0x88: {  	s2 =	sld [smem:$0x3FD9]  }
0x89: {  	s3 =	sld [smem:$0x3FFE];
	_ =	sdelay $0x1  }
0x8a: {  	s1 =	srdreg.scid  }
0x8b: {  	s0 =	sand.u32 $0x1, s1  }
0x8c: {  	s17 =	sshll.u32 s0, $0xA;
	s2 =	sadd.s32 s3, s2  }
0x8d: {  	s2 =	sadd.s32 s2, s17  }
0x8e: {  	[smem:$0x3FC1] =	sst s2  }
0x8f: {  	_ = 	snop  }
0x90: {  	s2 =	sld [smem:$0x3FD0];
	(tm) =	ssettm $0x1  }
0x91: {  	s18 =	sld [smem:$0x3FFB];
	_ =	sdelay $0x3  }
0x92: {  	_ =	strace s18  }
0x93: {  	s3 =	sld [smem:$0x3FFC];
	_ =	sdelay $0x3  }
0x94: {  	_ =	strace s3  }
0x95: {  	s3 =	sld [smem:$0x3FFD];
	_ =	sdelay $0x3  }
0x96: {  	_ =	strace s3  }
0x97: {  	_ =	strace $0x8FFFFFFF  }
0x98: {  	s19 =	sld [smem:$0x3FDB];
	_ =	sdelay $0x1  }
0x99: {  	s4 =	simm.s32 $_scs_section_size  }
0x9a: {  	s5 =	simm.s32 $_size__tile_overlayer_lowered;
	s6 =	simm.s32 $_tile_overlayer_lowered  }
0x9b: {  	s22 =	simm.s32 $0x1BFF;
	s21 =	sshll.u32 s6, $0x1;
	s3 =	sadd.s32 s4, s19  }
0x9c: {  	s7 =	simm.s32 $0x0;
	s20 =	sshll.u32 s5, $0x1;
	s5 =	sadd.s32 s21, s3  }
0x9d: {  	[timem:s7], [sflag:s22] =	dma.local [hbm:s5], s20  }
0x9e: {  	_ =	swait.ge [sflag:s22], s20  }
0x9f: {  	s4 =	ssub.s32 $0x0, s20;
	[sflag:s22] =	ssyncset.done $0x0  }
0xa0: {  	[sflag:s22] =	ssyncadd.s32 s4;
	_ =	sdelay $0x1  }
0xa1: {  	s23 =	simm.s32 $0x1B8B  }
0xa2: {  	_ =	swait.ge [sflag:s23], $0x1  }
0xa3: {  	[sflag:s23] =	ssyncset.done $0x0  }
0xa4: {  	s25 =	simm.s32 $0x1B8E;
	s24 =	sld [smem:$0x3FFE];
	[sflag:s23] =	ssyncadd.s32 $0xFFFFFFFF  }
0xa5: {  	s26 =	simm.s32 $execute0_lowered;
	[smem:$0x3FD2] =	sst s25  }
0xa6: {  	s5 =	sshll.u32 s26, $0x1;
	_ =	strace $0x80000049;
	[dreg:$0x1] =	wrdreg $0xFFFFFFFF  }
0xa7: {  	s28 =	simm.s32 $_size_execute0_lowered;
	s3 =	sadd.s32 s3, s5;
	[dreg:$0x0] =	wrdreg $0x0  }
0xa8: {  	s5 =	sshll.u32 s28, $0x1;
	[dreg:$0x2] =	wrdreg s3  }
0xa9: {  	[dreg:$0x3] =	wrdreg s5  }
0xaa: {  	[dreg:$0x4] =	wrdreg $0xC0  }
0xab: {  	_ =	task [dreg:s7], $0x5FFFF  }
0xac: {  	[dreg:$0x1] =	wrdreg $0xFFFFFFFF  }
0xad: {  	[dreg:$0x0] =	wrdreg $0x60  }
0xae: {  	[dreg:$0x2] =	wrdreg s24  }
0xaf: {  	[dreg:$0x3] =	wrdreg s2  }
0xb0: {  	[dreg:$0x4] =	wrdreg $0xAC000  }
0xb1: {  	[dreg:$0x5] =	wrdreg $0x9  }
0xb2: {  	_ =	task.clear_ibuf [dreg:s7], $0x6FFFF;
	_ =	strace $0x90000049  }
0xb3: {  	s29 =	simm.s32 $0x9;
	_ =	strace $0x8000004B  }
0xb4: {  	_ =	swait.ge [sflag:s29], $0x1  }
0xb5: {  	[sflag:s29] =	ssyncadd.s32 $0xFFFFFFFF  }
0xb6: {  	_ =	strace $0x9000004B  }
0xb7: {  	_ =	sfence  }
0xb8: {  	s30 =	sld [smem:$0x0];
	_ =	sdelay $0x2  }
0xb9: {  	s31 =	sshll.u32 s1, $0xD;
	s1 =	sshrl.u32 s1, $0x2  }
0xba: {  	s3 =	sand.u32 $0x4000, s31;
	s1 =	sadd.s32 s1, s30  }
0xbb: {  	s0 =	sor.u32 s3, s0;
	s1 =	sshll.u32 s1, $0x11  }
0xbc: {  	s0 =	sor.u32 s1, s0  }
0xbd: {  	s0 =	sadd.s32 $0x8F2B, s0  }
0xbe: {  	[sflag:s0] =	ssyncadd.remote.s32 $0x1  }
0xbf: {  	_ =	sfence.sel $0xFFFF  }
0xc0: {  	[dreg:$0x0] =	wrdreg $0xFFFFFFFF;
	(pc) =	sbr.abs _section_cstart, $3  }
0xc1: {  	[dreg:$0x1] =	wrdreg $0xFFFFFFFF  }
0xc2: {  	_ =	task.clear_ibuf [dreg:s7], $0x2FFFF;
	_ =	strace $0x9FFFFFFF  }
0xc3: {  	(tm) =	ssettm $0x7FFFFFFF  }
tec
execute0_lowered:
.L_overlay_start_1:
0x0: {  	(tag) =	ssettag $0x1  }
0x1: {  	s5 =	rddreg [dreg:$0x0]  }
0x2: {  	s6 =	rddreg [dreg:$0x1];
	s0 =	srdreg.scid  }
0x3: {  	s2 =	rddreg [dreg:$0x2];
	s1 =	stileid.u32  }
0x4: {  	s3 =	simm.s32 $0x0;
	s15 =	simm.s32 $0x80;
	s16 =	simm.s32 $0x2800  }
0x5: {  	s17 =	simm.s32 $0x6800;
	s18 =	simm.s32 $0x1;
	s9 =	smul.u32 $0x50, s1  }
0x6: {  	s19 =	simm.s32 $0x2;
	s20 =	simm.s32 $0x1380;
	s10 =	smul.u32 $0x500, s1  }
0x7: {  	s21 =	simm.s32 $0x2700;
	s22 =	simm.s32 $0x2780;
	s11 =	smul.u32 $0x50000, s1  }
0x8: {  	s7 =	sand.u32 $0x1, s0;
	s0 =	rddreg [dreg:$0x3];
	s12 =	smul.u32 $0x2800, s1  }
0x9: {  	[smem:$0x7FF] =	sst s3;
	s4 =	sadd.s32 $0x6400, s5;
	s8 =	smul.u32 $0x500, s7  }
0xa: {  	_ =	strace $0x8000004A;
	s28 =	smul.u32 $0x28000, s7;
	s7 =	ssub.s32 $0x2, s7  }
0xb: {  	s14 =	sadd.s32 s10, s5;
	s29 =	sshrl.u32 s7, $0x1;
	s30 =	sshrl.u32 s11, $0x2  }
0xc: {  	s8 =	sadd.s32 s8, s9;
	s7 =	ssub.s32 s7, s29;
	s31 =	sadd.s32 s12, s28  }
0xd: {  	s9 =	sadd.s32 $0x1400, s14;
	s11 =	sadd.s32 $0x1680, s14;
	s12 =	simm.s32 $0xA800  }
0xe: {  	s14 =	simm.s32 $0x1400;
	s8 =	sshll.u32 s8, $0x4;
	s6 =	sadd.s32 s6, s31  }
0xf: {  	s7 =	smax.u32 s7, $0x1;
	s13 =	sadd.s32 s8, s5;
	s5 =	sadd.s32 s30, s2  }
0x10: {  	v0 =	vimm.f32 $0.0e+00;
	s8 =	sadd.s32 $0x56400, s13;
	s10 =	sadd.s32 $0x56680, s13;
	s13 =	simm.s32 $0x3  }
.LBB2_1:
0x11: {  	[tilespmem:$0xA800] =	vst v0  }
0x12: {  	[tilespmem:$0xA810] =	vst v0  }
0x13: {  	[tilespmem:$0xA820] =	vst v0  }
0x14: {  	[tilespmem:$0xA830] =	vst v0  }
0x15: {  	[tilespmem:$0xA840] =	vst v0  }
0x16: {  	[tilespmem:$0xA850] =	vst v0  }
0x17: {  	[tilespmem:$0xA860] =	vst v0  }
0x18: {  	[tilespmem:$0xA870] =	vst v0  }
0x19: {  	[tilespmem:$0xA880] =	vst v0  }
0x1a: {  	[tilespmem:$0xA890] =	vst v0  }
0x1b: {  	[tilespmem:$0xA8A0] =	vst v0  }
0x1c: {  	[tilespmem:$0xA8B0] =	vst v0  }
0x1d: {  	[tilespmem:$0xA8C0] =	vst v0  }
0x1e: {  	[tilespmem:$0xA8D0] =	vst v0  }
0x1f: {  	[tilespmem:$0xA8E0] =	vst v0  }
0x20: {  	[tilespmem:$0xA8F0] =	vst v0  }
0x21: {  	[tilespmem:$0xA900] =	vst v0  }
0x22: {  	[tilespmem:$0xA910] =	vst v0  }
0x23: {  	[tilespmem:$0xA920] =	vst v0  }
0x24: {  	[tilespmem:$0xA930] =	vst v0  }
0x25: {  	[tilespmem:$0xA940] =	vst v0  }
0x26: {  	[tilespmem:$0xA950] =	vst v0  }
0x27: {  	[tilespmem:$0xA960] =	vst v0  }
0x28: {  	[tilespmem:$0xA970] =	vst v0  }
0x29: {  	[tilespmem:$0xA980] =	vst v0  }
0x2a: {  	[tilespmem:$0xA990] =	vst v0  }
0x2b: {  	[tilespmem:$0xA9A0] =	vst v0  }
0x2c: {  	[tilespmem:$0xA9B0] =	vst v0  }
0x2d: {  	[tilespmem:$0xA9C0] =	vst v0  }
0x2e: {  	[tilespmem:$0xA9D0] =	vst v0  }
0x2f: {  	[tilespmem:$0xA9E0] =	vst v0  }
0x30: {  	[tilespmem:$0xA9F0] =	vst v0  }
0x31: {  	[tilespmem:$0xAA00] =	vst v0  }
0x32: {  	[tilespmem:$0xAA10] =	vst v0  }
0x33: {  	[tilespmem:$0xAA20] =	vst v0  }
0x34: {  	[tilespmem:$0xAA30] =	vst v0  }
0x35: {  	[tilespmem:$0xAA40] =	vst v0  }
0x36: {  	[tilespmem:$0xAA50] =	vst v0  }
0x37: {  	[tilespmem:$0xAA60] =	vst v0  }
0x38: {  	[tilespmem:$0xAA70] =	vst v0  }
0x39: {  	[tilespmem:$0xAA80] =	vst v0  }
0x3a: {  	[tilespmem:$0xAA90] =	vst v0  }
0x3b: {  	[tilespmem:$0xAAA0] =	vst v0  }
0x3c: {  	[tilespmem:$0xAAB0] =	vst v0  }
0x3d: {  	[tilespmem:$0xAAC0] =	vst v0  }
0x3e: {  	[tilespmem:$0xAAD0] =	vst v0  }
0x3f: {  	[tilespmem:$0xAAE0] =	vst v0  }
0x40: {  	[tilespmem:$0xAAF0] =	vst v0  }
0x41: {  	[tilespmem:$0xAB00] =	vst v0  }
0x42: {  	[tilespmem:$0xAB10] =	vst v0  }
0x43: {  	[tilespmem:$0xAB20] =	vst v0  }
0x44: {  	[tilespmem:$0xAB30] =	vst v0  }
0x45: {  	[tilespmem:$0xAB40] =	vst v0  }
0x46: {  	[tilespmem:$0xAB50] =	vst v0  }
0x47: {  	[tilespmem:$0xAB60] =	vst v0  }
0x48: {  	[tilespmem:$0xAB70] =	vst v0  }
0x49: {  	[tilespmem:$0xAB80] =	vst v0  }
0x4a: {  	[tilespmem:$0xAB90] =	vst v0  }
0x4b: {  	[tilespmem:$0xABA0] =	vst v0  }
0x4c: {  	[tilespmem:$0xABB0] =	vst v0  }
0x4d: {  	[tilespmem:$0xABC0] =	vst v0  }
0x4e: {  	[tilespmem:$0xABD0] =	vst v0  }
0x4f: {  	[tilespmem:$0xABE0] =	vst v0  }
0x50: {  	[tilespmem:$0xABF0] =	vst v0;
	s23 =	sadd.s32 $0x0, s5  }
0x51: {  	[spmem:s23] =	stream.linear.scatter [tilespmem:s12], [sflag:$0x3], $0x400, $0x38;
	[tilespmem:$0x1EC00] =	vst v63  }
0x52: {  	s23 =	simm.s32 $0x1000;
	_ =	swait.ge [sflag:s13], $0x400  }
.LBB2_2:
0x53: {  	s24 =	sshra.s32 s23, $0x2;
	[sflag:s13] =	ssyncset.done $0x0;
	p0 =	sne.s32 s23, $0x4F000  }
.Ltmp0:
0x54: {  	s24 =	sadd.s32 s24, s5;
	[sflag:s13] =	ssyncadd.s32 $0xFFFFFC00;
	(pc) =	sbr.rel @p0 .LBB2_2-.Ltmp0, $3  }
0x55: {  	[spmem:s24] =	stream.linear.scatter [tilespmem:s12], [sflag:$0x3], $0x400, $0x38;
	[tilespmem:$0x1EC00] =	vst v63  }
0x56: {  	s23 =	sadd.s32 $0x1000, s23;
	_ =	sdelay $0x1  }
0x57: {  	_ =	swait.ge [sflag:s13], $0x400  }
0x58: {  	[sflag:s13] =	ssyncset.done $0x0  }
0x59: {  	[sflag:s13] =	ssyncadd.s32 $0xFFFFFC00  }
0x5a: {  	s23 =	simm.s32 $0x0;
	[bflag:$0x0] =	sbarrier.arrive $0xFFFF  }
0x5b: {  	[tilespmem:s23], [sflag:$0x3] =	stream.linear.gather [hbm4b:s8+s23], $0x1400, $0x38;
	[tilespmem:$0x1EC00] =	vst v63  }
0x5c: {  	_ =	swait.ge [sflag:s13], $0x1400  }
0x5d: {  	[sflag:s13] =	ssyncset.done $0x0  }
0x5e: {  	[sflag:s13] =	ssyncadd.s32 $0xFFFFEC00  }
0x5f: {  	[tilespmem:s14], [sflag:$0x3] =	stream.linear.gather [hbm4b:s9+s23], $0x1400, $0x38;
	[tilespmem:$0x1EC00] =	vst v63  }
0x60: {  	_ =	swait.ge [sflag:s13], $0x1400  }
0x61: {  	[sflag:s13] =	ssyncset.done $0x0  }
0x62: {  	[sflag:s13] =	ssyncadd.s32 $0xFFFFEC00  }
0x63: {  	[tilespmem:s16], [sflag:$0x1] =	stream.indirect.gather [hbm4b:s4+s15], $0x80, s23, s15, $0xb8;
	[tilespmem:$0x1EC00] =	vst v63  }
0x64: {  	s28 =	simm.s32 $0x80  }
0x65: {  	[tilespmem:s17], [sflag:$0x2] =	stream.indirect.gather [hbm4b:s4+s15], $0x80, s28, s15, $0xb8;
	[tilespmem:$0x1EC00] =	vst v63  }
0x66: {  	_ =	swait.ge [sflag:s18], $0x4000  }
0x67: {  	[sflag:s18] =	ssyncset.done $0x0  }
0x68: {  	s29 =	simm.s32 $0x1400;
	[sflag:s18] =	ssyncadd.s32 $0xFFFFC000  }
0x69: {  	[spmem:s2] =	stream.indirect.scatter.add.f32 [tilespmem:s16], [sflag:$0x3], $0x80, s29, s15, $0xb8;
	[tilespmem:$0x1EC00] =	vst v63  }
0x6a: {  	_ =	swait.ge [sflag:s13], $0x4000  }
0x6b: {  	[sflag:s13] =	ssyncset.done $0x0  }
0x6c: {  	s30 =	simm.s32 $0x100;
	[sflag:s13] =	ssyncadd.s32 $0xFFFFC000  }
0x6d: {  	[tilespmem:s16], [sflag:$0x1] =	stream.indirect.gather [hbm4b:s4+s15], $0x80, s30, s15, $0xb8;
	[tilespmem:$0x1EC00] =	vst v63  }
0x6e: {  	_ =	swait.ge [sflag:s19], $0x4000  }
0x6f: {  	[sflag:s19] =	ssyncset.done $0x0  }
0x70: {  	s31 =	simm.s32 $0x1480;
	[sflag:s19] =	ssyncadd.s32 $0xFFFFC000  }
0x71: {  	[spmem:s2] =	stream.indirect.scatter.add.f32 [tilespmem:s17], [sflag:$0x3], $0x80, s31, s15, $0xb8;
	[tilespmem:$0x1EC00] =	vst v63  }
0x72: {  	_ =	swait.ge [sflag:s13], $0x4000  }
0x73: {  	s24 =	simm.s32 $0x800;
	s23 =	simm.s32 $0x100;
	[sflag:s13] =	ssyncset.done $0x0  }
.LBB2_4:
0x74: {  	s25 =	sadd.s32 $0x80, s23  }
0x75: {  	[sflag:s13] =	ssyncadd.s32 $0xFFFFC000;
	s26 =	smov.u32 s24;
	s28 =	sadd.s32 $0x400, s24  }
0x76: {  	[tilespmem:s17], [sflag:$0x2] =	stream.indirect.gather [hbm4b:s4+s15], $0x80, s25, s15, $0xb8;
	[tilespmem:$0x1EC00] =	vst v63  }
0x77: {  	p0 =	sne.s32 s24, $0x4800;
	_ =	swait.ge [sflag:s18], $0x4000  }
0x78: {  	[sflag:s18] =	ssyncset.done $0x0  }
0x79: {  	s24 =	sadd.s32 $0x1400, s23;
	[sflag:s18] =	ssyncadd.s32 $0xFFFFC000  }
0x7a: {  	[spmem:s2] =	stream.indirect.scatter.add.f32 [tilespmem:s16], [sflag:$0x3], $0x80, s24, s15, $0xb8;
	[tilespmem:$0x1EC00] =	vst v63  }
0x7b: {  	_ =	swait.ge [sflag:s13], $0x4000  }
0x7c: {  	[sflag:s13] =	ssyncset.done $0x0  }
0x7d: {  	s24 =	sadd.s32 $0x100, s23;
	[sflag:s13] =	ssyncadd.s32 $0xFFFFC000  }
0x7e: {  	[tilespmem:s16], [sflag:$0x1] =	stream.indirect.gather [hbm4b:s4+s15], $0x80, s24, s15, $0xb8;
	[tilespmem:$0x1EC00] =	vst v63  }
0x7f: {  	_ =	swait.ge [sflag:s19], $0x4000  }
.Ltmp1:
0x80: {  	[sflag:s19] =	ssyncset.done $0x0;
	(pc) =	sbr.rel @p0 .LBB2_4-.Ltmp1, $4  }
0x81: {  	s23 =	sadd.s32 $0x1480, s23;
	[sflag:s19] =	ssyncadd.s32 $0xFFFFC000  }
0x82: {  	[spmem:s2] =	stream.indirect.scatter.add.f32 [tilespmem:s17], [sflag:$0x3], $0x80, s23, s15, $0xb8;
	[tilespmem:$0x1EC00] =	vst v63  }
0x83: {  	_ =	swait.ge [sflag:s13], $0x4000  }
0x84: {  	s24 =	smov.u32 s28;
	s23 =	sshra.s32 s26, $0x2;
	[sflag:s13] =	ssyncset.done $0x0  }
0x85: {  	s24 =	sadd.s32 $0x80, s23;
	[sflag:s13] =	ssyncadd.s32 $0xFFFFC000  }
0x86: {  	[tilespmem:s17], [sflag:$0x2] =	stream.indirect.gather [hbm4b:s4+s15], $0x80, s24, s15, $0xb8;
	[tilespmem:$0x1EC00] =	vst v63  }
0x87: {  	_ =	swait.ge [sflag:s18], $0x4000  }
0x88: {  	[sflag:s18] =	ssyncset.done $0x0  }
0x89: {  	s30 =	sadd.s32 $0x1400, s23;
	[sflag:s18] =	ssyncadd.s32 $0xFFFFC000  }
0x8a: {  	[spmem:s2] =	stream.indirect.scatter.add.f32 [tilespmem:s16], [sflag:$0x3], $0x80, s30, s15, $0xb8;
	[tilespmem:$0x1EC00] =	vst v63  }
0x8b: {  	_ =	swait.ge [sflag:s13], $0x4000  }
0x8c: {  	[sflag:s13] =	ssyncset.done $0x0  }
0x8d: {  	s31 =	sadd.s32 $0x100, s23;
	[sflag:s13] =	ssyncadd.s32 $0xFFFFC000  }
0x8e: {  	[tilespmem:s16], [sflag:$0x1] =	stream.indirect.gather [hbm4b:s4+s15], $0x80, s31, s15, $0xb8;
	[tilespmem:$0x1EC00] =	vst v63  }
0x8f: {  	_ =	swait.ge [sflag:s19], $0x4000  }
0x90: {  	[sflag:s19] =	ssyncset.done $0x0  }
0x91: {  	s25 =	sadd.s32 $0x1480, s23;
	[sflag:s19] =	ssyncadd.s32 $0xFFFFC000  }
0x92: {  	[spmem:s2] =	stream.indirect.scatter.add.f32 [tilespmem:s17], [sflag:$0x3], $0x80, s25, s15, $0xb8;
	[tilespmem:$0x1EC00] =	vst v63  }
0x93: {  	_ =	swait.ge [sflag:s13], $0x4000  }
0x94: {  	[sflag:s13] =	ssyncset.done $0x0  }
0x95: {  	[sflag:s13] =	ssyncadd.s32 $0xFFFFC000  }
0x96: {  	[tilespmem:s17], [sflag:$0x2] =	stream.indirect.gather [hbm4b:s4+s15], $0x80, s20, s15, $0xb8;
	[tilespmem:$0x1EC00] =	vst v63  }
0x97: {  	_ =	swait.ge [sflag:s18], $0x4000  }
0x98: {  	[sflag:s18] =	ssyncset.done $0x0  }
0x99: {  	[sflag:s18] =	ssyncadd.s32 $0xFFFFC000  }
0x9a: {  	[spmem:s2] =	stream.indirect.scatter.add.f32 [tilespmem:s16], [sflag:$0x3], $0x80, s21, s15, $0xb8;
	[tilespmem:$0x1EC00] =	vst v63  }
0x9b: {  	_ =	swait.ge [sflag:s13], $0x4000  }
0x9c: {  	[sflag:s13] =	ssyncset.done $0x0  }
0x9d: {  	[sflag:s13] =	ssyncadd.s32 $0xFFFFC000  }
0x9e: {  	_ =	swait.ge [sflag:s19], $0x4000  }
0x9f: {  	[sflag:s19] =	ssyncset.done $0x0  }
0xa0: {  	[sflag:s19] =	ssyncadd.s32 $0xFFFFC000  }
0xa1: {  	[spmem:s2] =	stream.indirect.scatter.add.f32 [tilespmem:s17], [sflag:$0x3], $0x80, s22, s15, $0xb8;
	[tilespmem:$0x1EC00] =	vst v63  }
0xa2: {  	_ =	swait.ge [sflag:s13], $0x4000  }
0xa3: {  	[sflag:s13] =	ssyncset.done $0x0  }
0xa4: {  	s26 =	simm.s32 $0x0;
	[sflag:s13] =	ssyncadd.s32 $0xFFFFC000  }
0xa5: {  	[tilespmem:s26], [sflag:$0x3] =	stream.linear.gather [hbm4b:s10+s26], $0x1400, $0x38;
	[tilespmem:$0x1EC00] =	vst v63  }
0xa6: {  	_ =	swait.ge [sflag:s13], $0x1400  }
0xa7: {  	[sflag:s13] =	ssyncset.done $0x0  }
0xa8: {  	[sflag:s13] =	ssyncadd.s32 $0xFFFFEC00  }
0xa9: {  	[tilespmem:s14], [sflag:$0x3] =	stream.linear.gather [hbm4b:s11+s26], $0x1400, $0x38;
	[tilespmem:$0x1EC00] =	vst v63  }
0xaa: {  	_ =	swait.ge [sflag:s13], $0x1400  }
0xab: {  	[sflag:s13] =	ssyncset.done $0x0  }
0xac: {  	[sflag:s13] =	ssyncadd.s32 $0xFFFFEC00  }
0xad: {  	[tilespmem:s16], [sflag:$0x1] =	stream.indirect.gather [hbm4b:s4+s15], $0x80, s26, s15, $0xb8;
	[tilespmem:$0x1EC00] =	vst v63  }
0xae: {  	s28 =	simm.s32 $0x80  }
0xaf: {  	[tilespmem:s17], [sflag:$0x2] =	stream.indirect.gather [hbm4b:s4+s15], $0x80, s28, s15, $0xb8;
	[tilespmem:$0x1EC00] =	vst v63  }
0xb0: {  	_ =	swait.ge [sflag:s18], $0x4000  }
0xb1: {  	[sflag:s18] =	ssyncset.done $0x0  }
0xb2: {  	s29 =	simm.s32 $0x1400;
	[sflag:s18] =	ssyncadd.s32 $0xFFFFC000  }
0xb3: {  	[spmem:s2] =	stream.indirect.scatter.add.f32 [tilespmem:s16], [sflag:$0x3], $0x80, s29, s15, $0xb8;
	[tilespmem:$0x1EC00] =	vst v63  }
0xb4: {  	_ =	swait.ge [sflag:s13], $0x4000  }
0xb5: {  	[sflag:s13] =	ssyncset.done $0x0  }
0xb6: {  	s30 =	simm.s32 $0x100;
	[sflag:s13] =	ssyncadd.s32 $0xFFFFC000  }
0xb7: {  	[tilespmem:s16], [sflag:$0x1] =	stream.indirect.gather [hbm4b:s4+s15], $0x80, s30, s15, $0xb8;
	[tilespmem:$0x1EC00] =	vst v63  }
0xb8: {  	_ =	swait.ge [sflag:s19], $0x4000  }
0xb9: {  	[sflag:s19] =	ssyncset.done $0x0  }
0xba: {  	s31 =	simm.s32 $0x1480;
	[sflag:s19] =	ssyncadd.s32 $0xFFFFC000  }
0xbb: {  	[spmem:s2] =	stream.indirect.scatter.add.f32 [tilespmem:s17], [sflag:$0x3], $0x80, s31, s15, $0xb8;
	[tilespmem:$0x1EC00] =	vst v63  }
0xbc: {  	_ =	swait.ge [sflag:s13], $0x4000  }
0xbd: {  	s23 =	simm.s32 $0x100;
	s24 =	simm.s32 $0x800;
	[sflag:s13] =	ssyncset.done $0x0  }
.LBB2_6:
0xbe: {  	s25 =	sadd.s32 $0x80, s23  }
0xbf: {  	[sflag:s13] =	ssyncadd.s32 $0xFFFFC000;
	s26 =	smov.u32 s24;
	s28 =	sadd.s32 $0x400, s24  }
0xc0: {  	[tilespmem:s17], [sflag:$0x2] =	stream.indirect.gather [hbm4b:s4+s15], $0x80, s25, s15, $0xb8;
	[tilespmem:$0x1EC00] =	vst v63  }
0xc1: {  	p0 =	sne.s32 s24, $0x4800;
	_ =	swait.ge [sflag:s18], $0x4000  }
0xc2: {  	[sflag:s18] =	ssyncset.done $0x0  }
0xc3: {  	s24 =	sadd.s32 $0x1400, s23;
	[sflag:s18] =	ssyncadd.s32 $0xFFFFC000  }
0xc4: {  	[spmem:s2] =	stream.indirect.scatter.add.f32 [tilespmem:s16], [sflag:$0x3], $0x80, s24, s15, $0xb8;
	[tilespmem:$0x1EC00] =	vst v63  }
0xc5: {  	_ =	swait.ge [sflag:s13], $0x4000  }
0xc6: {  	[sflag:s13] =	ssyncset.done $0x0  }
0xc7: {  	s24 =	sadd.s32 $0x100, s23;
	[sflag:s13] =	ssyncadd.s32 $0xFFFFC000  }
0xc8: {  	[tilespmem:s16], [sflag:$0x1] =	stream.indirect.gather [hbm4b:s4+s15], $0x80, s24, s15, $0xb8;
	[tilespmem:$0x1EC00] =	vst v63  }
0xc9: {  	_ =	swait.ge [sflag:s19], $0x4000  }
.Ltmp2:
0xca: {  	[sflag:s19] =	ssyncset.done $0x0;
	(pc) =	sbr.rel @p0 .LBB2_6-.Ltmp2, $4  }
0xcb: {  	s23 =	sadd.s32 $0x1480, s23;
	[sflag:s19] =	ssyncadd.s32 $0xFFFFC000  }
0xcc: {  	[spmem:s2] =	stream.indirect.scatter.add.f32 [tilespmem:s17], [sflag:$0x3], $0x80, s23, s15, $0xb8;
	[tilespmem:$0x1EC00] =	vst v63  }
0xcd: {  	_ =	swait.ge [sflag:s13], $0x4000  }
0xce: {  	s24 =	smov.u32 s28;
	s23 =	sshra.s32 s26, $0x2;
	[sflag:s13] =	ssyncset.done $0x0  }
0xcf: {  	s24 =	sadd.s32 $0x80, s23;
	[sflag:s13] =	ssyncadd.s32 $0xFFFFC000  }
0xd0: {  	[tilespmem:s17], [sflag:$0x2] =	stream.indirect.gather [hbm4b:s4+s15], $0x80, s24, s15, $0xb8;
	[tilespmem:$0x1EC00] =	vst v63  }
0xd1: {  	_ =	swait.ge [sflag:s18], $0x4000  }
0xd2: {  	[sflag:s18] =	ssyncset.done $0x0  }
0xd3: {  	s26 =	sadd.s32 $0x1400, s23;
	[sflag:s18] =	ssyncadd.s32 $0xFFFFC000  }
0xd4: {  	[spmem:s2] =	stream.indirect.scatter.add.f32 [tilespmem:s16], [sflag:$0x3], $0x80, s26, s15, $0xb8;
	[tilespmem:$0x1EC00] =	vst v63  }
0xd5: {  	_ =	swait.ge [sflag:s13], $0x4000  }
0xd6: {  	[sflag:s13] =	ssyncset.done $0x0  }
0xd7: {  	s28 =	sadd.s32 $0x100, s23;
	[sflag:s13] =	ssyncadd.s32 $0xFFFFC000  }
0xd8: {  	[tilespmem:s16], [sflag:$0x1] =	stream.indirect.gather [hbm4b:s4+s15], $0x80, s28, s15, $0xb8;
	[tilespmem:$0x1EC00] =	vst v63  }
0xd9: {  	_ =	swait.ge [sflag:s19], $0x4000  }
0xda: {  	[sflag:s19] =	ssyncset.done $0x0  }
0xdb: {  	s29 =	sadd.s32 $0x1480, s23;
	[sflag:s19] =	ssyncadd.s32 $0xFFFFC000  }
0xdc: {  	[spmem:s2] =	stream.indirect.scatter.add.f32 [tilespmem:s17], [sflag:$0x3], $0x80, s29, s15, $0xb8;
	[tilespmem:$0x1EC00] =	vst v63  }
0xdd: {  	_ =	swait.ge [sflag:s13], $0x4000  }
0xde: {  	[sflag:s13] =	ssyncset.done $0x0  }
0xdf: {  	[sflag:s13] =	ssyncadd.s32 $0xFFFFC000  }
0xe0: {  	[tilespmem:s17], [sflag:$0x2] =	stream.indirect.gather [hbm4b:s4+s15], $0x80, s20, s15, $0xb8;
	[tilespmem:$0x1EC00] =	vst v63  }
0xe1: {  	_ =	swait.ge [sflag:s18], $0x4000  }
0xe2: {  	[sflag:s18] =	ssyncset.done $0x0  }
0xe3: {  	[sflag:s18] =	ssyncadd.s32 $0xFFFFC000  }
0xe4: {  	[spmem:s2] =	stream.indirect.scatter.add.f32 [tilespmem:s16], [sflag:$0x3], $0x80, s21, s15, $0xb8;
	[tilespmem:$0x1EC00] =	vst v63  }
0xe5: {  	_ =	swait.ge [sflag:s13], $0x4000  }
0xe6: {  	[sflag:s13] =	ssyncset.done $0x0  }
0xe7: {  	[sflag:s13] =	ssyncadd.s32 $0xFFFFC000  }
0xe8: {  	_ =	swait.ge [sflag:s19], $0x4000  }
0xe9: {  	[sflag:s19] =	ssyncset.done $0x0  }
0xea: {  	[sflag:s19] =	ssyncadd.s32 $0xFFFFC000  }
0xeb: {  	[spmem:s2] =	stream.indirect.scatter.add.f32 [tilespmem:s17], [sflag:$0x3], $0x80, s22, s15, $0xb8;
	[tilespmem:$0x1EC00] =	vst v63  }
0xec: {  	_ =	swait.ge [sflag:s13], $0x4000  }
0xed: {  	s30 =	sshll.u32 s1, $0x6;
	s3 =	sadd.s32 $0x1, s3;
	[sflag:s13] =	ssyncset.done $0x0  }
0xee: {  	s31 =	sshrl.u32 s5, $0x3;
	p0 =	sne.s32 s3, s7;
	[sflag:s13] =	ssyncadd.s32 $0xFFFFC000  }
.Ltmp3:
0xef: {  	s23 =	sor.u32 $0x1C03, s30;
	[bflag:$0x0] =	sbarrier.arrive $0xFFFF;
	(pc) =	sbr.rel @p0 .LBB2_1-.Ltmp3, $4  }
0xf0: {  	[hbm:s6], [sflag:s23] =	dma.local [spmem:s31], $0x2800  }
0xf1: {  	_ =	swait.ge [sflag:s13], $0x2800  }
0xf2: {  	[sflag:s13] =	ssyncset.done $0x0  }
0xf3: {  	[sflag:s13] =	ssyncadd.s32 $0xFFFFD800  }
0xf4: {  	_ =	sfence.sel $0x180000  }
0xf5: {  	[bflag:$0x0] =	sbarrier.arrive $0xFFFF  }
0xf6: {  	p0 =	sne.s32 s1, $0x0;
	_ =	strace $0x9000004A  }
0xf7: {  	s0 =	sadd.s32 @!p0 $0x100000, s0;
	[bflag:$0x2] =	sbarrier.arrive $0xFFFF  }
0xf8: {  	[sflag:s0] =	ssyncadd.tile.s32 @!p0 $0x1;
	_ =	shalt  }
.Lfunc_end2:
_tile_overlayer_lowered:
.L_overlay_start_2:
0xf9: {  	(tag) =	ssettag $0x2  }
0xfa: {  	s0 =	rddreg [dreg:$0x0];
	s2 =	stileid.u32  }
0xfb: {  	s1 =	rddreg [dreg:$0x1];
	p0 =	sne.s32 s2, $0x0  }
0xfc: {  	s3 =	rddreg [dreg:$0x2];
	[bflag:$0x3] =	sbarrier.arrive $0xFFFF;
	s2 =	simm.s32 @!p0 $0x1C03  }
0xfd: {  	[timem:s3], [sflag:s2] =	dma.local @!p0 [hbm:s0], s1  }
0xfe: {  	s0 =	simm.s32 @!p0 $0x3  }
0xff: {  	_ =	swait.ge @!p0 [sflag:s0], s1  }
0x100: {  	s1 =	ssub.s32 @!p0 $0x0, s1;
	[sflag:s0] =	ssyncset.done @!p0 $0x0  }
0x101: {  	[sflag:s0] =	ssyncadd.s32 @!p0 s1  }
0x102: {  	[bflag:$0x3] =	sbarrier.arrive $0xFFFF  }
0x103: {  	_ =	shalt  }

</sc_bundles>
